<compile_context>
chip_gen: v7x
topology: tpu7x:2x2x1
jax: 0.10.2.dev20260603
libtpu: 0.0.44.dev20260713+nightly
codegen_flags: <defaults>
</compile_context>

<pallas_src>
import functools

import jax
import jax.numpy as jnp
from jax import lax
from jax.experimental import pallas as pl
from jax.experimental.pallas import tpu as pltpu
from jax.experimental.pallas import tpu_sc as plsc

N = 10000
E = 160000
K = N // 2
R = 1000
GRID = N // R
NPAD = 10240
EPS = 1e-3



def _k1_body(x_ref, W1_ref, c1_ref, W2_ref, c2_ref, Wg1_ref, cg1_ref,
             h_ref, m1a_ref, m1b_ref):
    xb = x_ref[...]
    h1 = jnp.maximum(jnp.dot(xb, W1_ref[...], preferred_element_type=jnp.float32)
                     + c1_ref[...], 0.0)
    h = jnp.dot(h1, W2_ref[...], preferred_element_type=jnp.float32) + c2_ref[...]
    m1 = jnp.maximum(jnp.dot(h, Wg1_ref[...], preferred_element_type=jnp.float32)
                     + cg1_ref[...], 0.0)
    h_ref[...] = h
    m1a_ref[...] = m1[:, :128]
    m1b_ref[...] = m1[:, 128:]


def _k2a_body(a_ref, b_ref, h_ref, p_ref, y_ref):
    p = p_ref[...]
    pn = p * jax.lax.rsqrt(jnp.sum(p * p))
    y = (jnp.dot(a_ref[...], pn[:128], preferred_element_type=jnp.float32)
         + jnp.dot(b_ref[...], pn[128:256], preferred_element_type=jnp.float32)
         + jnp.dot(h_ref[...], pn[256:], preferred_element_type=jnp.float32))
    y_ref[...] = y


def _uge(a, b):
    off = jnp.uint32(0x80000000)
    return (lax.bitcast_convert_type(a ^ off, jnp.int32)
            >= lax.bitcast_convert_type(b ^ off, jnp.int32))


def _ugt(a, b):
    off = jnp.uint32(0x80000000)
    return (lax.bitcast_convert_type(a ^ off, jnp.int32)
            > lax.bitcast_convert_type(b ^ off, jnp.int32))


def _k2b_body(y_ref, sel_ref, q_ref):
    y = y_ref[...]
    u = lax.bitcast_convert_type(y, jnp.uint32)
    m = jnp.where(u >= jnp.uint32(0x80000000), ~u, u | jnp.uint32(0x80000000))
    row = lax.broadcasted_iota(jnp.int32, (NPAD // 128, 128), 0)
    col = lax.broadcasted_iota(jnp.int32, (NPAD // 128, 128), 1)
    idx = row * 128 + col
    valid = idx < N
    hi = jnp.where(valid, m, jnp.uint32(0))
    lo = jnp.where(valid, jnp.uint32(0xFFFFFFFF) - idx.astype(jnp.uint32),
                   jnp.uint32(0))

    def key_ge(thi, tlo):
        return _ugt(hi, thi) | (jnp.equal(hi, thi) & _uge(lo, tlo))

    def body(t, T):
        thi, tlo = T
        b = 63 - t
        in_hi = b >= 32
        amt_hi = jnp.where(in_hi, b - 32, 0).astype(jnp.uint32)
        amt_lo = jnp.where(in_hi, 0, b).astype(jnp.uint32)
        nthi = jnp.where(in_hi, thi | (jnp.uint32(1) << amt_hi), thi)
        ntlo = jnp.where(in_hi, tlo, tlo | (jnp.uint32(1) << amt_lo))
        cnt = jnp.sum(key_ge(nthi, ntlo).astype(jnp.int32))
        ok = cnt >= K
        return (jnp.where(ok, nthi, thi), jnp.where(ok, ntlo, tlo))

    thi, tlo = lax.fori_loop(0, 64, body, (jnp.uint32(0), jnp.uint32(0)))
    sel = key_ge(thi, tlo).astype(jnp.float32)
    sel_ref[...] = sel
    q_ref[...] = sel / (1.0 + jnp.exp(-y))


def _k3_body(a_ref, b_ref, h_ref, q_ref, sel_ref, c0_ref, c1_ref,
             Wg2_ref, cg2_ref, Wp1_ref, cp1_ref, Wp2_ref, cp2_ref,
             out_ref, acc_ref):
    i = pl.program_id(0)

    @pl.when(i == 0)
    def _():
        acc_ref[...] = jnp.zeros_like(acc_ref)

    q = q_ref[...][:, :1]
    xp = jnp.concatenate([a_ref[...], b_ref[...], h_ref[...]], axis=1) * q
    m2 = jnp.maximum(jnp.dot(xp, Wg2_ref[...], preferred_element_type=jnp.float32)
                     + cg2_ref[...], 0.0)
    t = sel_ref[...][:, :1] * (c0_ref[...][:, :1] + c1_ref[...][:, :1])
    ps = jnp.sum(t * m2, axis=0, keepdims=True)
    px = jnp.sum(xp, axis=0, keepdims=True)
    acc_ref[...] += jnp.concatenate([ps, px], axis=1)

    @pl.when(i == GRID - 1)
    def _():
        gsum = acc_ref[...]
        o = jnp.maximum(jnp.dot(gsum, Wp1_ref[...],
                                preferred_element_type=jnp.float32)
                        + cp1_ref[...], 0.0)
        o2 = (jnp.dot(o, Wp2_ref[...], preferred_element_type=jnp.float32)
              + cp2_ref[...])
        e = jnp.exp(o2 - jnp.max(o2, axis=1, keepdims=True))
        out_ref[...] = e / jnp.sum(e, axis=1, keepdims=True)



def _tc_k1(x, W1f, c1, W2f, c2, Wg1f, cg1):
    wspec = pl.BlockSpec((256, 256), lambda i: (0, 0))
    cspec = pl.BlockSpec((1, 256), lambda i: (0, 0))
    return pl.pallas_call(
        _k1_body,
        grid=(GRID,),
        in_specs=[pl.BlockSpec((R, 256), lambda i: (i, 0)),
                  wspec, cspec, wspec, cspec, wspec, cspec],
        out_specs=[pl.BlockSpec((R, 256), lambda i: (i, 0)),
                   pl.BlockSpec((R, 128), lambda i: (i, 0)),
                   pl.BlockSpec((R, 128), lambda i: (i, 0))],
        out_shape=[jax.ShapeDtypeStruct((N, 256), jnp.float32),
                   jax.ShapeDtypeStruct((N, 128), jnp.float32),
                   jax.ShapeDtypeStruct((N, 128), jnp.float32)],
    )(x, W1f, c1, W2f, c2, Wg1f, cg1)


def _tc_k2a(agg1a, agg1b, h, p2):
    return pl.pallas_call(
        _k2a_body,
        grid=(GRID,),
        in_specs=[pl.BlockSpec((R, 128), lambda i: (i, 0)),
                  pl.BlockSpec((R, 128), lambda i: (i, 0)),
                  pl.BlockSpec((R, 256), lambda i: (i, 0)),
                  pl.BlockSpec((512, 1), lambda i: (0, 0))],
        out_specs=pl.BlockSpec((R, 1), lambda i: (i, 0)),
        out_shape=jax.ShapeDtypeStruct((N, 1), jnp.float32),
    )(agg1a, agg1b, h, p2)


def _tc_k2b(ypad):
    return pl.pallas_call(
        _k2b_body,
        out_shape=[jax.ShapeDtypeStruct((NPAD // 128, 128), jnp.float32),
                   jax.ShapeDtypeStruct((NPAD // 128, 128), jnp.float32)],
    )(ypad)


def _tc_k3(agg1a, agg1b, h, qw, selw, cnt0, cnt1,
           Wg2f, cg2, Wp1f, cp1, Wp2f, cp2):
    return pl.pallas_call(
        _k3_body,
        grid=(GRID,),
        in_specs=[pl.BlockSpec((R, 128), lambda i: (i, 0)),
                  pl.BlockSpec((R, 128), lambda i: (i, 0)),
                  pl.BlockSpec((R, 256), lambda i: (i, 0)),
                  pl.BlockSpec((R, 16), lambda i: (i, 0)),
                  pl.BlockSpec((R, 128), lambda i: (i, 0)),
                  pl.BlockSpec((R, 128), lambda i: (i, 0)),
                  pl.BlockSpec((R, 128), lambda i: (i, 0)),
                  pl.BlockSpec((512, 256), lambda i: (0, 0)),
                  pl.BlockSpec((1, 256), lambda i: (0, 0)),
                  pl.BlockSpec((768, 256), lambda i: (0, 0)),
                  pl.BlockSpec((1, 256), lambda i: (0, 0)),
                  pl.BlockSpec((256, 10), lambda i: (0, 0)),
                  pl.BlockSpec((1, 10), lambda i: (0, 0))],
        out_specs=pl.BlockSpec((1, 10), lambda i: (0, 0)),
        out_shape=jax.ShapeDtypeStruct((1, 10), jnp.float32),
        scratch_shapes=[pltpu.VMEM((1, 768), jnp.float32)],
    )(agg1a, agg1b, h, qw, selw, cnt0, cnt1, Wg2f, cg2, Wp1f, cp1, Wp2f, cp2)



_EPT_A = E // 16
_RPT = NPAD // 16


@functools.lru_cache(maxsize=None)
def _get_sc_agg():
  mesh = plsc.VectorSubcoreMesh(core_axis_name="c", subcore_axis_name="s")

  @functools.partial(
      pl.kernel, mesh=mesh,
      out_type=[jax.ShapeDtypeStruct((NPAD, 128), jnp.float32),
                jax.ShapeDtypeStruct((NPAD, 128), jnp.float32)],
      scratch_types=[
          pltpu.VMEM((128,), jnp.int32),
          pltpu.VMEM((128,), jnp.int32),
          pltpu.VMEM((128, 128), jnp.float32),
          pltpu.VMEM((16,), jnp.int32),
          pltpu.VMEM((16,), jnp.int32),
          pltpu.VMEM((16, 128), jnp.float32),
          pltpu.VMEM_SHARED((NPAD, 128), jnp.float32),
          pltpu.SemaphoreType.DMA,
      ],
  )
  def _sc_agg(src_hbm, dst_hbm, m1a_hbm, m1b_hbm, zero_hbm, outa, outb,
              sidx, didx, rows, sidxt, didxt, rowst, acc, sem):
    c = lax.axis_index("c")
    s = lax.axis_index("s")

    def run(tbl, out):
        pltpu.sync_copy(zero_hbm, acc.at[pl.ds(s * _RPT, _RPT)])
        plsc.subcore_barrier()
        t0 = s * _EPT_A

        def chunk(j, _):
            base = t0 + j * 128
            pltpu.sync_copy(src_hbm.at[pl.ds(base, 128)], sidx)
            pltpu.async_copy(tbl.at[sidx], rows, sem).wait()
            pltpu.sync_copy(dst_hbm.at[pl.ds(base, 128)], didx)
            pltpu.sync_copy(rows, acc.at[didx], add=True)
            return 0

        lax.fori_loop(0, _EPT_A // 128, chunk, 0)
        base = t0 + (_EPT_A // 128) * 128
        pltpu.sync_copy(src_hbm.at[pl.ds(base, 16)], sidxt)
        pltpu.async_copy(tbl.at[sidxt], rowst, sem).wait()
        pltpu.sync_copy(dst_hbm.at[pl.ds(base, 16)], didxt)
        pltpu.sync_copy(rowst, acc.at[didxt], add=True)
        plsc.subcore_barrier()
        pltpu.sync_copy(acc.at[pl.ds(s * _RPT, _RPT)],
                        out.at[pl.ds(s * _RPT, _RPT)])

    @pl.when(c == 0)
    def _():
        run(m1a_hbm, outa)

    @pl.when(c == 1)
    def _():
        run(m1b_hbm, outb)

  return _sc_agg


_EPT_B = E // 32


@functools.lru_cache(maxsize=None)
def _get_sc_cnt():
  mesh = plsc.VectorSubcoreMesh(core_axis_name="c", subcore_axis_name="s")

  @functools.partial(
      pl.kernel, mesh=mesh,
      out_type=[jax.ShapeDtypeStruct((NPAD, 128), jnp.float32),
                jax.ShapeDtypeStruct((NPAD, 128), jnp.float32)],
      scratch_types=[
          pltpu.VMEM((128,), jnp.int32),
          pltpu.VMEM((128,), jnp.int32),
          pltpu.VMEM((128, 128), jnp.float32),
          pltpu.VMEM((8,), jnp.int32),
          pltpu.VMEM((8,), jnp.int32),
          pltpu.VMEM((8, 128), jnp.float32),
          pltpu.VMEM_SHARED((NPAD, 128), jnp.float32),
          pltpu.SemaphoreType.DMA,
      ],
  )
  def _sc_cnt(src_hbm, dst_hbm, selw_hbm, zero_hbm, out0, out1,
              sidx, didx, rows, sidxt, didxt, rowst, acc, sem):
    c = lax.axis_index("c")
    s = lax.axis_index("s")
    pltpu.sync_copy(zero_hbm, acc.at[pl.ds(s * _RPT, _RPT)])
    plsc.subcore_barrier()
    e0 = c * (E // 2) + s * _EPT_B

    def chunk(j, _):
        base = e0 + j * 128
        pltpu.sync_copy(dst_hbm.at[pl.ds(base, 128)], didx)
        pltpu.async_copy(selw_hbm.at[didx], rows, sem).wait()
        pltpu.sync_copy(src_hbm.at[pl.ds(base, 128)], sidx)
        pltpu.sync_copy(rows, acc.at[sidx], add=True)
        return 0

    lax.fori_loop(0, _EPT_B // 128, chunk, 0)
    base = e0 + (_EPT_B // 128) * 128
    pltpu.sync_copy(dst_hbm.at[pl.ds(base, 8)], didxt)
    pltpu.async_copy(selw_hbm.at[didxt], rowst, sem).wait()
    pltpu.sync_copy(src_hbm.at[pl.ds(base, 8)], sidxt)
    pltpu.sync_copy(rowst, acc.at[sidxt], add=True)
    plsc.subcore_barrier()

    @pl.when(c == 0)
    def _():
        pltpu.sync_copy(acc.at[pl.ds(s * _RPT, _RPT)],
                        out0.at[pl.ds(s * _RPT, _RPT)])

    @pl.when(c == 1)
    def _():
        pltpu.sync_copy(acc.at[pl.ds(s * _RPT, _RPT)],
                        out1.at[pl.ds(s * _RPT, _RPT)])

  return _sc_cnt



def kernel(x, edge_index, W1, b1, g1, be1, W2, b2, g2, be2, Wg1, bg1, gg1,
           geb1, p, Wg2, bg2, gg2, geb2, Wp1, bp1, gp1, gep1, Wp2, bp2,
           gp2, gep2):
    bns = 1.0 / jnp.sqrt(jnp.float32(1.0 + EPS))
    W1f = W1 * (g1 * bns);   c1 = (b1 * g1 * bns + be1)[None, :]
    W2f = W2 * (g2 * bns);   c2 = (b2 * g2 * bns + be2)[None, :]
    Wg1f = Wg1 * (gg1 * bns); cg1 = (bg1 * gg1 * bns + geb1)[None, :]
    Wg2f = Wg2 * (gg2 * bns); cg2 = (bg2 * gg2 * bns + geb2)[None, :]
    Wp1f = Wp1 * (gp1 * bns); cp1 = (bp1 * gp1 * bns + gep1)[None, :]
    Wp2f = Wp2 * (gp2 * bns); cp2 = (bp2 * gp2 * bns + gep2)[None, :]

    src = edge_index[0]
    dst = edge_index[1]
    zeros_a = jnp.zeros((_RPT, 128), jnp.float32)

    h, m1a, m1b = _tc_k1(x, W1f, c1, W2f, c2, Wg1f, cg1)
    agg1a, agg1b = _get_sc_agg()(src, dst, m1a, m1b, zeros_a)
    y = _tc_k2a(agg1a, agg1b, h, p.reshape(512, 1))
    ypad = jnp.concatenate([y.reshape(N), jnp.zeros((NPAD - N,), jnp.float32)]
                           ).reshape(NPAD // 128, 128)
    sel, q = _tc_k2b(ypad)
    selw = jnp.broadcast_to(sel.reshape(NPAD)[:N, None], (N, 128))
    qw = jnp.broadcast_to(q.reshape(NPAD)[:N, None], (N, 16))
    cnt0, cnt1 = _get_sc_cnt()(src, dst, selw, zeros_a)
    out = _tc_k3(agg1a, agg1b, h, qw, selw, cnt0, cnt1,
                 Wg2f, cg2, Wp1f, cp1, Wp2f, cp2)
    return out.reshape(10)

# --- scband reference (transcript-rebuilt; emitter-appended) ---
"""Pipeline reference for scband-main-model-36584531428023 (READ-ONLY COPY).

The authoritative reference and input builder live on the scoring server;
editing this copy changes nothing except your own understanding.
"""

import jax, jax.numpy as jnp
import numpy as np

N = 10000
E = 160000
D = 256
N_OUT = 10
K = int(0.5 * N)
EPS = 1e-3

def _bn(x, gamma, beta):
    # inference-mode BatchNorm with moving_mean=0, moving_var=1, eps=1e-3 (Keras default)
    return gamma * x / jnp.sqrt(1.0 + EPS) + beta

def setup_inputs(seed: int = 0):
    key = jax.random.key(seed)
    ks = jax.random.split(key, 12)
    def w(k, shape):
        fan_in = shape[0]
        return jax.random.normal(k, shape, dtype=jnp.float32) * (2.0 / fan_in) ** 0.5
    d = {}
    d['x'] = jax.random.normal(ks[0], (N, D), dtype=jnp.float32)
    d['edge_index'] = jax.random.randint(ks[1], (2, E), 0, N, dtype=jnp.int32)
    d['W1'] = w(ks[2], (D, 256)); d['b1'] = jnp.zeros((256,), jnp.float32)
    d['g1'] = jnp.ones((256,), jnp.float32); d['be1'] = jnp.zeros((256,), jnp.float32)
    d['W2'] = w(ks[3], (256, 256)); d['b2'] = jnp.zeros((256,), jnp.float32)
    d['g2'] = jnp.ones((256,), jnp.float32); d['be2'] = jnp.zeros((256,), jnp.float32)
    d['Wg1'] = w(ks[4], (256, 256)); d['bg1'] = jnp.zeros((256,), jnp.float32)
    d['gg1'] = jnp.ones((256,), jnp.float32); d['geb1'] = jnp.zeros((256,), jnp.float32)
    d['p'] = jax.random.normal(ks[5], (512,), dtype=jnp.float32)
    d['Wg2'] = w(ks[6], (512, 256)); d['bg2'] = jnp.zeros((256,), jnp.float32)
    d['gg2'] = jnp.ones((256,), jnp.float32); d['geb2'] = jnp.zeros((256,), jnp.float32)
    d['Wp1'] = w(ks[7], (768, 256)); d['bp1'] = jnp.zeros((256,), jnp.float32)
    d['gp1'] = jnp.ones((256,), jnp.float32); d['gep1'] = jnp.zeros((256,), jnp.float32)
    d['Wp2'] = w(ks[8], (256, N_OUT)); d['bp2'] = jnp.zeros((N_OUT,), jnp.float32)
    d['gp2'] = jnp.ones((N_OUT,), jnp.float32); d['gep2'] = jnp.zeros((N_OUT,), jnp.float32)
    return d

def reference(x, edge_index, W1, b1, g1, be1, W2, b2, g2, be2, Wg1, bg1, gg1, geb1, p, Wg2, bg2, gg2, geb2, Wp1, bp1, gp1, gep1, Wp2, bp2, gp2, gep2):
    src = edge_index[0]
    dst = edge_index[1]
    # pre MLP: Dense->BN->relu, Dense->BN->(None)
    h = jnp.maximum(_bn(x @ W1 + b1, g1, be1), 0.0)
    h = _bn(h @ W2 + b2, g2, be2)
    # GeneralConv 1: linear -> BN -> relu -> sum-aggregate over edges
    m1 = jnp.maximum(_bn(h @ Wg1 + bg1, gg1, geb1), 0.0)
    agg1 = jax.ops.segment_sum(m1[src], dst, num_segments=N)
    # skip concat -> [N, 512]
    h = jnp.concatenate([agg1, h], axis=1)
    # TopKPool(ratio=0.5): y = x.(p/||p||), select top-K nodes, gate by sigmoid(y)
    y = h @ (p / jnp.linalg.norm(p))
    top_y, sel = jax.lax.top_k(y, K)
    xp = h[sel] * jax.nn.sigmoid(top_y)[:, None]
    nmask = jnp.zeros((N,), jnp.float32).at[sel].set(1.0)
    newpos = jnp.zeros((N,), jnp.int32).at[sel].set(jnp.arange(K, dtype=jnp.int32))
    valid = nmask[src] * nmask[dst]
    new_src = newpos[src]
    new_dst = jnp.where(valid > 0, newpos[dst], K)
    # GeneralConv 2 over pooled subgraph (invalid edges masked to dummy segment K)
    m2 = jnp.maximum(_bn(xp @ Wg2 + bg2, gg2, geb2), 0.0)
    msgs = m2[new_src] * valid[:, None]
    agg2 = jax.ops.segment_sum(msgs, new_dst, num_segments=K + 1)[:K]
    # skip concat -> [K, 768]
    h2 = jnp.concatenate([agg2, xp], axis=1)
    # GlobalSumPool (single mode)
    gsum = jnp.sum(h2, axis=0)
    # post MLP: Dense->BN->relu, Dense->BN->softmax
    o = jnp.maximum(_bn(gsum @ Wp1 + bp1, gp1, gep1), 0.0)
    o = _bn(o @ Wp2 + bp2, gp2, gep2)
    return jax.nn.softmax(o)

if __name__ == "__main__":
    import jax
    _d = setup_inputs()
    print(jax.jit(kernel)(*tuple(_d.values())))

</pallas_src>

<mosaic_0001>
#map = affine_map<(d0, d1) -> (0)>
#map1 = affine_map<(d0, d1) -> (0, 0)>
module attributes {stable_mosaic.version = 14 : i64} {
  func.func @_sc_agg(%arg0: i32, %arg1: i32, %arg2: memref<160000xi32, #tpu.memory_space<hbm>>, %arg3: memref<160000xi32, #tpu.memory_space<hbm>>, %arg4: memref<10000x128xf32, #tpu.memory_space<hbm>>, %arg5: memref<10000x128xf32, #tpu.memory_space<hbm>>, %arg6: memref<640x128xf32, #tpu.memory_space<hbm>>, %arg7: memref<10240x128xf32, #tpu.memory_space<hbm>>, %arg8: memref<10240x128xf32, #tpu.memory_space<hbm>>, %arg9: memref<128xi32, #tpu.memory_space<vmem>>, %arg10: memref<128xi32, #tpu.memory_space<vmem>>, %arg11: memref<128x128xf32, #tpu.memory_space<vmem>>, %arg12: memref<16xi32, #tpu.memory_space<vmem>>, %arg13: memref<16xi32, #tpu.memory_space<vmem>>, %arg14: memref<16x128xf32, #tpu.memory_space<vmem>>, %arg15: memref<10240x128xf32, #tpu.memory_space<vmem_shared>>, %arg16: memref<!tpu.dma_semaphore, #tpu.memory_space<semaphore_mem>>) attributes {dimension_semantics = [#tpu.dimension_semantics<core_parallel>, #tpu.dimension_semantics<subcore_parallel>], iteration_bounds = array<i64: 2, 16>, scalar_prefetch = 0 : i64, scratch_operands = 8 : i64, tpu.core_type = #tpu.core_type<sc_vector_subcore>, window_params = [{transform_indices = #map}, {transform_indices = #map}, {transform_indices = #map1}, {transform_indices = #map1}, {transform_indices = #map1}, {transform_indices = #map1}, {transform_indices = #map1}]} {
    %eq3A = arith.constant 0 : i32
    %eq3A_0 = arith.cmpi eq, %arg0, %eq3A : i32
    %convert_element_type3A = arith.extui %eq3A_0 : i1 to i32
    %cond3A = arith.constant 0 : i32
    %cond3A_1 = arith.cmpi ne, %convert_element_type3A, %cond3A : i32
    scf.if %cond3A_1 {
      %mul3A = arith.constant 640 : i32
      %mul3A_7 = arith.muli %arg1, %mul3A : i32
      "tpu.region"() ({
        %run_scoped3A = tpu.sem_alloc : memref<!tpu.dma_semaphore, #tpu.memory_space<semaphore_mem>>
        %dma_start3A_26 = arith.constant 0 : i32
        %dma_start3A_27 = tpu.memref_slice %arg15[%mul3A_7, %dma_start3A_26] : memref<10240x128xf32, #tpu.memory_space<vmem_shared>> -> memref<640x128xf32, #tpu.memory_space<vmem_shared>>
        tpu.enqueue_dma source(%arg6 : memref<640x128xf32, #tpu.memory_space<hbm>>) target(%dma_start3A_27 : memref<640x128xf32, #tpu.memory_space<vmem_shared>>) target_semaphore(%run_scoped3A : memref<!tpu.dma_semaphore, #tpu.memory_space<semaphore_mem>>)
        %dma_wait3A_28 = arith.constant 0 : i32
        %dma_wait3A_29 = tpu.memref_slice %arg15[%mul3A_7, %dma_wait3A_28] : memref<10240x128xf32, #tpu.memory_space<vmem_shared>> -> memref<640x128xf32, #tpu.memory_space<vmem_shared>>
        tpu.wait_dma2 semaphore(%run_scoped3A : memref<!tpu.dma_semaphore, #tpu.memory_space<semaphore_mem>>) src(%arg6 : memref<640x128xf32, #tpu.memory_space<hbm>>) dst(%dma_wait3A_29 : memref<640x128xf32, #tpu.memory_space<vmem_shared>>)
        tpu.yield
      }) : () -> ()
      %barrier3A = arith.constant 0 : index
      tpu.barrier barrier_id(%barrier3A)
      %mul3A_8 = arith.constant 10000 : i32
      %mul3A_9 = arith.muli %arg1, %mul3A_8 : i32
      %scan3A = arith.constant 0 : i32
      %scan3A_10 = arith.constant 0 : i32
      %scan3A_11 = arith.constant 78 : i32
      %scan3A_12 = arith.addi %scan3A_10, %scan3A_11 : i32
      %scan3A_13 = arith.constant 1 : i32
      %scan3A_14 = scf.for %scan3A_26 = %scan3A_10 to %scan3A_12 step %scan3A_13 iter_args(%scan3A_27 = %scan3A) -> (i32)  : i32 {
        %mul3A_28 = arith.constant 128 : i32
        %mul3A_29 = arith.muli %scan3A_26, %mul3A_28 : i32
        %add3A_30 = arith.addi %mul3A_9, %mul3A_29 : i32
        "tpu.region"() ({
          %run_scoped3A = tpu.sem_alloc : memref<!tpu.dma_semaphore, #tpu.memory_space<semaphore_mem>>
          %dma_start3A_38 = tpu.memref_slice %arg2[%add3A_30] : memref<160000xi32, #tpu.memory_space<hbm>> -> memref<128xi32, #tpu.memory_space<hbm>>
          %dma_start3A_39 = tpu.memref_slice %arg2[%add3A_30] : memref<160000xi32, #tpu.memory_space<hbm>> -> memref<128xi32, #tpu.memory_space<hbm>>
          tpu.enqueue_dma source(%dma_start3A_39 : memref<128xi32, #tpu.memory_space<hbm>>) target(%arg9 : memref<128xi32, #tpu.memory_space<vmem>>) target_semaphore(%run_scoped3A : memref<!tpu.dma_semaphore, #tpu.memory_space<semaphore_mem>>)
          %dma_wait3A_40 = tpu.memref_slice %arg2[%add3A_30] : memref<160000xi32, #tpu.memory_space<hbm>> -> memref<128xi32, #tpu.memory_space<hbm>>
          %dma_wait3A_41 = tpu.memref_slice %arg2[%add3A_30] : memref<160000xi32, #tpu.memory_space<hbm>> -> memref<128xi32, #tpu.memory_space<hbm>>
          tpu.wait_dma2 semaphore(%run_scoped3A : memref<!tpu.dma_semaphore, #tpu.memory_space<semaphore_mem>>) src(%dma_wait3A_41 : memref<128xi32, #tpu.memory_space<hbm>>) dst(%arg9 : memref<128xi32, #tpu.memory_space<vmem>>)
          tpu.yield
        }) : () -> ()
        %dma_start3A_31 = arith.constant 0 : i32
        %dma_start3A_32 = arith.constant 0 : i32
        %dma_start3A_33 = tpu.memref_slice %arg4[%dma_start3A_31, %dma_start3A_32] : memref<10000x128xf32, #tpu.memory_space<hbm>> -> memref<10000x128xf32, #tpu.memory_space<hbm>>
        tpu.enqueue_indirect_dma source(%dma_start3A_33 : memref<10000x128xf32, #tpu.memory_space<hbm>>) target(%arg11 : memref<128x128xf32, #tpu.memory_space<vmem>>) offsets(%arg9 : memref<128xi32, #tpu.memory_space<vmem>>) semaphore(%arg16 : memref<!tpu.dma_semaphore, #tpu.memory_space<semaphore_mem>>)
        %dma_wait3A_34 = arith.constant 0 : i32
        %dma_wait3A_35 = arith.constant 0 : i32
        %dma_wait3A_36 = tpu.memref_slice %arg4[%dma_wait3A_34, %dma_wait3A_35] : memref<10000x128xf32, #tpu.memory_space<hbm>> -> memref<10000x128xf32, #tpu.memory_space<hbm>>
        tpu.wait_indirect_dma semaphore(%arg16 : memref<!tpu.dma_semaphore, #tpu.memory_space<semaphore_mem>>) src(%dma_wait3A_36 : memref<10000x128xf32, #tpu.memory_space<hbm>>) dst(%arg11 : memref<128x128xf32, #tpu.memory_space<vmem>>)
        "tpu.region"() ({
          %run_scoped3A = tpu.sem_alloc : memref<!tpu.dma_semaphore, #tpu.memory_space<semaphore_mem>>
          %dma_start3A_38 = tpu.memref_slice %arg3[%add3A_30] : memref<160000xi32, #tpu.memory_space<hbm>> -> memref<128xi32, #tpu.memory_space<hbm>>
          %dma_start3A_39 = tpu.memref_slice %arg3[%add3A_30] : memref<160000xi32, #tpu.memory_space<hbm>> -> memref<128xi32, #tpu.memory_space<hbm>>
          tpu.enqueue_dma source(%dma_start3A_39 : memref<128xi32, #tpu.memory_space<hbm>>) target(%arg10 : memref<128xi32, #tpu.memory_space<vmem>>) target_semaphore(%run_scoped3A : memref<!tpu.dma_semaphore, #tpu.memory_space<semaphore_mem>>)
          %dma_wait3A_40 = tpu.memref_slice %arg3[%add3A_30] : memref<160000xi32, #tpu.memory_space<hbm>> -> memref<128xi32, #tpu.memory_space<hbm>>
          %dma_wait3A_41 = tpu.memref_slice %arg3[%add3A_30] : memref<160000xi32, #tpu.memory_space<hbm>> -> memref<128xi32, #tpu.memory_space<hbm>>
          tpu.wait_dma2 semaphore(%run_scoped3A : memref<!tpu.dma_semaphore, #tpu.memory_space<semaphore_mem>>) src(%dma_wait3A_41 : memref<128xi32, #tpu.memory_space<hbm>>) dst(%arg10 : memref<128xi32, #tpu.memory_space<vmem>>)
          tpu.yield
        }) : () -> ()
        "tpu.region"() ({
          %run_scoped3A = tpu.sem_alloc : memref<!tpu.dma_semaphore, #tpu.memory_space<semaphore_mem>>
          %dma_start3A_38 = arith.constant 0 : i32
          %dma_start3A_39 = arith.constant 0 : i32
          %dma_start3A_40 = tpu.memref_slice %arg15[%dma_start3A_38, %dma_start3A_39] : memref<10240x128xf32, #tpu.memory_space<vmem_shared>> -> memref<10240x128xf32, #tpu.memory_space<vmem_shared>>
          tpu.enqueue_indirect_dma source(%arg11 : memref<128x128xf32, #tpu.memory_space<vmem>>) target(%dma_start3A_40 : memref<10240x128xf32, #tpu.memory_space<vmem_shared>>) offsets(%arg10 : memref<128xi32, #tpu.memory_space<vmem>>) semaphore(%run_scoped3A : memref<!tpu.dma_semaphore, #tpu.memory_space<semaphore_mem>>) {add = true}
          %dma_wait3A_41 = arith.constant 0 : i32
          %dma_wait3A_42 = arith.constant 0 : i32
          %dma_wait3A_43 = tpu.memref_slice %arg15[%dma_wait3A_41, %dma_wait3A_42] : memref<10240x128xf32, #tpu.memory_space<vmem_shared>> -> memref<10240x128xf32, #tpu.memory_space<vmem_shared>>
          tpu.wait_indirect_dma semaphore(%run_scoped3A : memref<!tpu.dma_semaphore, #tpu.memory_space<semaphore_mem>>) src(%arg11 : memref<128x128xf32, #tpu.memory_space<vmem>>) dst(%dma_wait3A_43 : memref<10240x128xf32, #tpu.memory_space<vmem_shared>>)
          tpu.yield
        }) : () -> ()
        %scan3A_37 = arith.constant 0 : i32
        scf.yield %scan3A_37 : i32
      }
      %scan3A_15 = arith.constant 78 : i32
      %add3A = arith.constant 9984 : i32
      %add3A_16 = arith.addi %mul3A_9, %add3A : i32
      "tpu.region"() ({
        %run_scoped3A = tpu.sem_alloc : memref<!tpu.dma_semaphore, #tpu.memory_space<semaphore_mem>>
        %dma_start3A_26 = tpu.memref_slice %arg2[%add3A_16] : memref<160000xi32, #tpu.memory_space<hbm>> -> memref<16xi32, #tpu.memory_space<hbm>>
        %dma_start3A_27 = tpu.memref_slice %arg2[%add3A_16] : memref<160000xi32, #tpu.memory_space<hbm>> -> memref<16xi32, #tpu.memory_space<hbm>>
        tpu.enqueue_dma source(%dma_start3A_27 : memref<16xi32, #tpu.memory_space<hbm>>) target(%arg12 : memref<16xi32, #tpu.memory_space<vmem>>) target_semaphore(%run_scoped3A : memref<!tpu.dma_semaphore, #tpu.memory_space<semaphore_mem>>)
        %dma_wait3A_28 = tpu.memref_slice %arg2[%add3A_16] : memref<160000xi32, #tpu.memory_space<hbm>> -> memref<16xi32, #tpu.memory_space<hbm>>
        %dma_wait3A_29 = tpu.memref_slice %arg2[%add3A_16] : memref<160000xi32, #tpu.memory_space<hbm>> -> memref<16xi32, #tpu.memory_space<hbm>>
        tpu.wait_dma2 semaphore(%run_scoped3A : memref<!tpu.dma_semaphore, #tpu.memory_space<semaphore_mem>>) src(%dma_wait3A_29 : memref<16xi32, #tpu.memory_space<hbm>>) dst(%arg12 : memref<16xi32, #tpu.memory_space<vmem>>)
        tpu.yield
      }) : () -> ()
      %dma_start3A = arith.constant 0 : i32
      %dma_start3A_17 = arith.constant 0 : i32
      %dma_start3A_18 = tpu.memref_slice %arg4[%dma_start3A, %dma_start3A_17] : memref<10000x128xf32, #tpu.memory_space<hbm>> -> memref<10000x128xf32, #tpu.memory_space<hbm>>
      tpu.enqueue_indirect_dma source(%dma_start3A_18 : memref<10000x128xf32, #tpu.memory_space<hbm>>) target(%arg14 : memref<16x128xf32, #tpu.memory_space<vmem>>) offsets(%arg12 : memref<16xi32, #tpu.memory_space<vmem>>) semaphore(%arg16 : memref<!tpu.dma_semaphore, #tpu.memory_space<semaphore_mem>>)
      %dma_wait3A = arith.constant 0 : i32
      %dma_wait3A_19 = arith.constant 0 : i32
      %dma_wait3A_20 = tpu.memref_slice %arg4[%dma_wait3A, %dma_wait3A_19] : memref<10000x128xf32, #tpu.memory_space<hbm>> -> memref<10000x128xf32, #tpu.memory_space<hbm>>
      tpu.wait_indirect_dma semaphore(%arg16 : memref<!tpu.dma_semaphore, #tpu.memory_space<semaphore_mem>>) src(%dma_wait3A_20 : memref<10000x128xf32, #tpu.memory_space<hbm>>) dst(%arg14 : memref<16x128xf32, #tpu.memory_space<vmem>>)
      "tpu.region"() ({
        %run_scoped3A = tpu.sem_alloc : memref<!tpu.dma_semaphore, #tpu.memory_space<semaphore_mem>>
        %dma_start3A_26 = tpu.memref_slice %arg3[%add3A_16] : memref<160000xi32, #tpu.memory_space<hbm>> -> memref<16xi32, #tpu.memory_space<hbm>>
        %dma_start3A_27 = tpu.memref_slice %arg3[%add3A_16] : memref<160000xi32, #tpu.memory_space<hbm>> -> memref<16xi32, #tpu.memory_space<hbm>>
        tpu.enqueue_dma source(%dma_start3A_27 : memref<16xi32, #tpu.memory_space<hbm>>) target(%arg13 : memref<16xi32, #tpu.memory_space<vmem>>) target_semaphore(%run_scoped3A : memref<!tpu.dma_semaphore, #tpu.memory_space<semaphore_mem>>)
        %dma_wait3A_28 = tpu.memref_slice %arg3[%add3A_16] : memref<160000xi32, #tpu.memory_space<hbm>> -> memref<16xi32, #tpu.memory_space<hbm>>
        %dma_wait3A_29 = tpu.memref_slice %arg3[%add3A_16] : memref<160000xi32, #tpu.memory_space<hbm>> -> memref<16xi32, #tpu.memory_space<hbm>>
        tpu.wait_dma2 semaphore(%run_scoped3A : memref<!tpu.dma_semaphore, #tpu.memory_space<semaphore_mem>>) src(%dma_wait3A_29 : memref<16xi32, #tpu.memory_space<hbm>>) dst(%arg13 : memref<16xi32, #tpu.memory_space<vmem>>)
        tpu.yield
      }) : () -> ()
      "tpu.region"() ({
        %run_scoped3A = tpu.sem_alloc : memref<!tpu.dma_semaphore, #tpu.memory_space<semaphore_mem>>
        %dma_start3A_26 = arith.constant 0 : i32
        %dma_start3A_27 = arith.constant 0 : i32
        %dma_start3A_28 = tpu.memref_slice %arg15[%dma_start3A_26, %dma_start3A_27] : memref<10240x128xf32, #tpu.memory_space<vmem_shared>> -> memref<10240x128xf32, #tpu.memory_space<vmem_shared>>
        tpu.enqueue_indirect_dma source(%arg14 : memref<16x128xf32, #tpu.memory_space<vmem>>) target(%dma_start3A_28 : memref<10240x128xf32, #tpu.memory_space<vmem_shared>>) offsets(%arg13 : memref<16xi32, #tpu.memory_space<vmem>>) semaphore(%run_scoped3A : memref<!tpu.dma_semaphore, #tpu.memory_space<semaphore_mem>>) {add = true}
        %dma_wait3A_29 = arith.constant 0 : i32
        %dma_wait3A_30 = arith.constant 0 : i32
        %dma_wait3A_31 = tpu.memref_slice %arg15[%dma_wait3A_29, %dma_wait3A_30] : memref<10240x128xf32, #tpu.memory_space<vmem_shared>> -> memref<10240x128xf32, #tpu.memory_space<vmem_shared>>
        tpu.wait_indirect_dma semaphore(%run_scoped3A : memref<!tpu.dma_semaphore, #tpu.memory_space<semaphore_mem>>) src(%arg14 : memref<16x128xf32, #tpu.memory_space<vmem>>) dst(%dma_wait3A_31 : memref<10240x128xf32, #tpu.memory_space<vmem_shared>>)
        tpu.yield
      }) : () -> ()
      %barrier3A_21 = arith.constant 0 : index
      tpu.barrier barrier_id(%barrier3A_21)
      %mul3A_22 = arith.constant 640 : i32
      %mul3A_23 = arith.muli %arg1, %mul3A_22 : i32
      %mul3A_24 = arith.constant 640 : i32
      %mul3A_25 = arith.muli %arg1, %mul3A_24 : i32
      "tpu.region"() ({
        %run_scoped3A = tpu.sem_alloc : memref<!tpu.dma_semaphore, #tpu.memory_space<semaphore_mem>>
        %dma_start3A_26 = arith.constant 0 : i32
        %dma_start3A_27 = tpu.memref_slice %arg7[%mul3A_25, %dma_start3A_26] : memref<10240x128xf32, #tpu.memory_space<hbm>> -> memref<640x128xf32, #tpu.memory_space<hbm>>
        %dma_start3A_28 = arith.constant 0 : i32
        %dma_start3A_29 = tpu.memref_slice %arg15[%mul3A_23, %dma_start3A_28] : memref<10240x128xf32, #tpu.memory_space<vmem_shared>> -> memref<640x128xf32, #tpu.memory_space<vmem_shared>>
        tpu.enqueue_dma source(%dma_start3A_29 : memref<640x128xf32, #tpu.memory_space<vmem_shared>>) target(%dma_start3A_27 : memref<640x128xf32, #tpu.memory_space<hbm>>) target_semaphore(%run_scoped3A : memref<!tpu.dma_semaphore, #tpu.memory_space<semaphore_mem>>)
        %dma_wait3A_30 = arith.constant 0 : i32
        %dma_wait3A_31 = tpu.memref_slice %arg7[%mul3A_25, %dma_wait3A_30] : memref<10240x128xf32, #tpu.memory_space<hbm>> -> memref<640x128xf32, #tpu.memory_space<hbm>>
        %dma_wait3A_32 = arith.constant 0 : i32
        %dma_wait3A_33 = tpu.memref_slice %arg15[%mul3A_23, %dma_wait3A_32] : memref<10240x128xf32, #tpu.memory_space<vmem_shared>> -> memref<640x128xf32, #tpu.memory_space<vmem_shared>>
        tpu.wait_dma2 semaphore(%run_scoped3A : memref<!tpu.dma_semaphore, #tpu.memory_space<semaphore_mem>>) src(%dma_wait3A_33 : memref<640x128xf32, #tpu.memory_space<vmem_shared>>) dst(%dma_wait3A_31 : memref<640x128xf32, #tpu.memory_space<hbm>>)
        tpu.yield
      }) : () -> ()
    } else {
    }
    %eq3A_2 = arith.constant 1 : i32
    %eq3A_3 = arith.cmpi eq, %arg0, %eq3A_2 : i32
    %convert_element_type3A_4 = arith.extui %eq3A_3 : i1 to i32
    %cond3A_5 = arith.constant 0 : i32
    %cond3A_6 = arith.cmpi ne, %convert_element_type3A_4, %cond3A_5 : i32
    scf.if %cond3A_6 {
      %mul3A = arith.constant 640 : i32
      %mul3A_7 = arith.muli %arg1, %mul3A : i32
      "tpu.region"() ({
        %run_scoped3A = tpu.sem_alloc : memref<!tpu.dma_semaphore, #tpu.memory_space<semaphore_mem>>
        %dma_start3A_26 = arith.constant 0 : i32
        %dma_start3A_27 = tpu.memref_slice %arg15[%mul3A_7, %dma_start3A_26] : memref<10240x128xf32, #tpu.memory_space<vmem_shared>> -> memref<640x128xf32, #tpu.memory_space<vmem_shared>>
        tpu.enqueue_dma source(%arg6 : memref<640x128xf32, #tpu.memory_space<hbm>>) target(%dma_start3A_27 : memref<640x128xf32, #tpu.memory_space<vmem_shared>>) target_semaphore(%run_scoped3A : memref<!tpu.dma_semaphore, #tpu.memory_space<semaphore_mem>>)
        %dma_wait3A_28 = arith.constant 0 : i32
        %dma_wait3A_29 = tpu.memref_slice %arg15[%mul3A_7, %dma_wait3A_28] : memref<10240x128xf32, #tpu.memory_space<vmem_shared>> -> memref<640x128xf32, #tpu.memory_space<vmem_shared>>
        tpu.wait_dma2 semaphore(%run_scoped3A : memref<!tpu.dma_semaphore, #tpu.memory_space<semaphore_mem>>) src(%arg6 : memref<640x128xf32, #tpu.memory_space<hbm>>) dst(%dma_wait3A_29 : memref<640x128xf32, #tpu.memory_space<vmem_shared>>)
        tpu.yield
      }) : () -> ()
      %barrier3A = arith.constant 0 : index
      tpu.barrier barrier_id(%barrier3A)
      %mul3A_8 = arith.constant 10000 : i32
      %mul3A_9 = arith.muli %arg1, %mul3A_8 : i32
      %scan3A = arith.constant 0 : i32
      %scan3A_10 = arith.constant 0 : i32
      %scan3A_11 = arith.constant 78 : i32
      %scan3A_12 = arith.addi %scan3A_10, %scan3A_11 : i32
      %scan3A_13 = arith.constant 1 : i32
      %scan3A_14 = scf.for %scan3A_26 = %scan3A_10 to %scan3A_12 step %scan3A_13 iter_args(%scan3A_27 = %scan3A) -> (i32)  : i32 {
        %mul3A_28 = arith.constant 128 : i32
        %mul3A_29 = arith.muli %scan3A_26, %mul3A_28 : i32
        %add3A_30 = arith.addi %mul3A_9, %mul3A_29 : i32
        "tpu.region"() ({
          %run_scoped3A = tpu.sem_alloc : memref<!tpu.dma_semaphore, #tpu.memory_space<semaphore_mem>>
          %dma_start3A_38 = tpu.memref_slice %arg2[%add3A_30] : memref<160000xi32, #tpu.memory_space<hbm>> -> memref<128xi32, #tpu.memory_space<hbm>>
          %dma_start3A_39 = tpu.memref_slice %arg2[%add3A_30] : memref<160000xi32, #tpu.memory_space<hbm>> -> memref<128xi32, #tpu.memory_space<hbm>>
          tpu.enqueue_dma source(%dma_start3A_39 : memref<128xi32, #tpu.memory_space<hbm>>) target(%arg9 : memref<128xi32, #tpu.memory_space<vmem>>) target_semaphore(%run_scoped3A : memref<!tpu.dma_semaphore, #tpu.memory_space<semaphore_mem>>)
          %dma_wait3A_40 = tpu.memref_slice %arg2[%add3A_30] : memref<160000xi32, #tpu.memory_space<hbm>> -> memref<128xi32, #tpu.memory_space<hbm>>
          %dma_wait3A_41 = tpu.memref_slice %arg2[%add3A_30] : memref<160000xi32, #tpu.memory_space<hbm>> -> memref<128xi32, #tpu.memory_space<hbm>>
          tpu.wait_dma2 semaphore(%run_scoped3A : memref<!tpu.dma_semaphore, #tpu.memory_space<semaphore_mem>>) src(%dma_wait3A_41 : memref<128xi32, #tpu.memory_space<hbm>>) dst(%arg9 : memref<128xi32, #tpu.memory_space<vmem>>)
          tpu.yield
        }) : () -> ()
        %dma_start3A_31 = arith.constant 0 : i32
        %dma_start3A_32 = arith.constant 0 : i32
        %dma_start3A_33 = tpu.memref_slice %arg5[%dma_start3A_31, %dma_start3A_32] : memref<10000x128xf32, #tpu.memory_space<hbm>> -> memref<10000x128xf32, #tpu.memory_space<hbm>>
        tpu.enqueue_indirect_dma source(%dma_start3A_33 : memref<10000x128xf32, #tpu.memory_space<hbm>>) target(%arg11 : memref<128x128xf32, #tpu.memory_space<vmem>>) offsets(%arg9 : memref<128xi32, #tpu.memory_space<vmem>>) semaphore(%arg16 : memref<!tpu.dma_semaphore, #tpu.memory_space<semaphore_mem>>)
        %dma_wait3A_34 = arith.constant 0 : i32
        %dma_wait3A_35 = arith.constant 0 : i32
        %dma_wait3A_36 = tpu.memref_slice %arg5[%dma_wait3A_34, %dma_wait3A_35] : memref<10000x128xf32, #tpu.memory_space<hbm>> -> memref<10000x128xf32, #tpu.memory_space<hbm>>
        tpu.wait_indirect_dma semaphore(%arg16 : memref<!tpu.dma_semaphore, #tpu.memory_space<semaphore_mem>>) src(%dma_wait3A_36 : memref<10000x128xf32, #tpu.memory_space<hbm>>) dst(%arg11 : memref<128x128xf32, #tpu.memory_space<vmem>>)
        "tpu.region"() ({
          %run_scoped3A = tpu.sem_alloc : memref<!tpu.dma_semaphore, #tpu.memory_space<semaphore_mem>>
          %dma_start3A_38 = tpu.memref_slice %arg3[%add3A_30] : memref<160000xi32, #tpu.memory_space<hbm>> -> memref<128xi32, #tpu.memory_space<hbm>>
          %dma_start3A_39 = tpu.memref_slice %arg3[%add3A_30] : memref<160000xi32, #tpu.memory_space<hbm>> -> memref<128xi32, #tpu.memory_space<hbm>>
          tpu.enqueue_dma source(%dma_start3A_39 : memref<128xi32, #tpu.memory_space<hbm>>) target(%arg10 : memref<128xi32, #tpu.memory_space<vmem>>) target_semaphore(%run_scoped3A : memref<!tpu.dma_semaphore, #tpu.memory_space<semaphore_mem>>)
          %dma_wait3A_40 = tpu.memref_slice %arg3[%add3A_30] : memref<160000xi32, #tpu.memory_space<hbm>> -> memref<128xi32, #tpu.memory_space<hbm>>
          %dma_wait3A_41 = tpu.memref_slice %arg3[%add3A_30] : memref<160000xi32, #tpu.memory_space<hbm>> -> memref<128xi32, #tpu.memory_space<hbm>>
          tpu.wait_dma2 semaphore(%run_scoped3A : memref<!tpu.dma_semaphore, #tpu.memory_space<semaphore_mem>>) src(%dma_wait3A_41 : memref<128xi32, #tpu.memory_space<hbm>>) dst(%arg10 : memref<128xi32, #tpu.memory_space<vmem>>)
          tpu.yield
        }) : () -> ()
        "tpu.region"() ({
          %run_scoped3A = tpu.sem_alloc : memref<!tpu.dma_semaphore, #tpu.memory_space<semaphore_mem>>
          %dma_start3A_38 = arith.constant 0 : i32
          %dma_start3A_39 = arith.constant 0 : i32
          %dma_start3A_40 = tpu.memref_slice %arg15[%dma_start3A_38, %dma_start3A_39] : memref<10240x128xf32, #tpu.memory_space<vmem_shared>> -> memref<10240x128xf32, #tpu.memory_space<vmem_shared>>
          tpu.enqueue_indirect_dma source(%arg11 : memref<128x128xf32, #tpu.memory_space<vmem>>) target(%dma_start3A_40 : memref<10240x128xf32, #tpu.memory_space<vmem_shared>>) offsets(%arg10 : memref<128xi32, #tpu.memory_space<vmem>>) semaphore(%run_scoped3A : memref<!tpu.dma_semaphore, #tpu.memory_space<semaphore_mem>>) {add = true}
          %dma_wait3A_41 = arith.constant 0 : i32
          %dma_wait3A_42 = arith.constant 0 : i32
          %dma_wait3A_43 = tpu.memref_slice %arg15[%dma_wait3A_41, %dma_wait3A_42] : memref<10240x128xf32, #tpu.memory_space<vmem_shared>> -> memref<10240x128xf32, #tpu.memory_space<vmem_shared>>
          tpu.wait_indirect_dma semaphore(%run_scoped3A : memref<!tpu.dma_semaphore, #tpu.memory_space<semaphore_mem>>) src(%arg11 : memref<128x128xf32, #tpu.memory_space<vmem>>) dst(%dma_wait3A_43 : memref<10240x128xf32, #tpu.memory_space<vmem_shared>>)
          tpu.yield
        }) : () -> ()
        %scan3A_37 = arith.constant 0 : i32
        scf.yield %scan3A_37 : i32
      }
      %scan3A_15 = arith.constant 78 : i32
      %add3A = arith.constant 9984 : i32
      %add3A_16 = arith.addi %mul3A_9, %add3A : i32
      "tpu.region"() ({
        %run_scoped3A = tpu.sem_alloc : memref<!tpu.dma_semaphore, #tpu.memory_space<semaphore_mem>>
        %dma_start3A_26 = tpu.memref_slice %arg2[%add3A_16] : memref<160000xi32, #tpu.memory_space<hbm>> -> memref<16xi32, #tpu.memory_space<hbm>>
        %dma_start3A_27 = tpu.memref_slice %arg2[%add3A_16] : memref<160000xi32, #tpu.memory_space<hbm>> -> memref<16xi32, #tpu.memory_space<hbm>>
        tpu.enqueue_dma source(%dma_start3A_27 : memref<16xi32, #tpu.memory_space<hbm>>) target(%arg12 : memref<16xi32, #tpu.memory_space<vmem>>) target_semaphore(%run_scoped3A : memref<!tpu.dma_semaphore, #tpu.memory_space<semaphore_mem>>)
        %dma_wait3A_28 = tpu.memref_slice %arg2[%add3A_16] : memref<160000xi32, #tpu.memory_space<hbm>> -> memref<16xi32, #tpu.memory_space<hbm>>
        %dma_wait3A_29 = tpu.memref_slice %arg2[%add3A_16] : memref<160000xi32, #tpu.memory_space<hbm>> -> memref<16xi32, #tpu.memory_space<hbm>>
        tpu.wait_dma2 semaphore(%run_scoped3A : memref<!tpu.dma_semaphore, #tpu.memory_space<semaphore_mem>>) src(%dma_wait3A_29 : memref<16xi32, #tpu.memory_space<hbm>>) dst(%arg12 : memref<16xi32, #tpu.memory_space<vmem>>)
        tpu.yield
      }) : () -> ()
      %dma_start3A = arith.constant 0 : i32
      %dma_start3A_17 = arith.constant 0 : i32
      %dma_start3A_18 = tpu.memref_slice %arg5[%dma_start3A, %dma_start3A_17] : memref<10000x128xf32, #tpu.memory_space<hbm>> -> memref<10000x128xf32, #tpu.memory_space<hbm>>
      tpu.enqueue_indirect_dma source(%dma_start3A_18 : memref<10000x128xf32, #tpu.memory_space<hbm>>) target(%arg14 : memref<16x128xf32, #tpu.memory_space<vmem>>) offsets(%arg12 : memref<16xi32, #tpu.memory_space<vmem>>) semaphore(%arg16 : memref<!tpu.dma_semaphore, #tpu.memory_space<semaphore_mem>>)
      %dma_wait3A = arith.constant 0 : i32
      %dma_wait3A_19 = arith.constant 0 : i32
      %dma_wait3A_20 = tpu.memref_slice %arg5[%dma_wait3A, %dma_wait3A_19] : memref<10000x128xf32, #tpu.memory_space<hbm>> -> memref<10000x128xf32, #tpu.memory_space<hbm>>
      tpu.wait_indirect_dma semaphore(%arg16 : memref<!tpu.dma_semaphore, #tpu.memory_space<semaphore_mem>>) src(%dma_wait3A_20 : memref<10000x128xf32, #tpu.memory_space<hbm>>) dst(%arg14 : memref<16x128xf32, #tpu.memory_space<vmem>>)
      "tpu.region"() ({
        %run_scoped3A = tpu.sem_alloc : memref<!tpu.dma_semaphore, #tpu.memory_space<semaphore_mem>>
        %dma_start3A_26 = tpu.memref_slice %arg3[%add3A_16] : memref<160000xi32, #tpu.memory_space<hbm>> -> memref<16xi32, #tpu.memory_space<hbm>>
        %dma_start3A_27 = tpu.memref_slice %arg3[%add3A_16] : memref<160000xi32, #tpu.memory_space<hbm>> -> memref<16xi32, #tpu.memory_space<hbm>>
        tpu.enqueue_dma source(%dma_start3A_27 : memref<16xi32, #tpu.memory_space<hbm>>) target(%arg13 : memref<16xi32, #tpu.memory_space<vmem>>) target_semaphore(%run_scoped3A : memref<!tpu.dma_semaphore, #tpu.memory_space<semaphore_mem>>)
        %dma_wait3A_28 = tpu.memref_slice %arg3[%add3A_16] : memref<160000xi32, #tpu.memory_space<hbm>> -> memref<16xi32, #tpu.memory_space<hbm>>
        %dma_wait3A_29 = tpu.memref_slice %arg3[%add3A_16] : memref<160000xi32, #tpu.memory_space<hbm>> -> memref<16xi32, #tpu.memory_space<hbm>>
        tpu.wait_dma2 semaphore(%run_scoped3A : memref<!tpu.dma_semaphore, #tpu.memory_space<semaphore_mem>>) src(%dma_wait3A_29 : memref<16xi32, #tpu.memory_space<hbm>>) dst(%arg13 : memref<16xi32, #tpu.memory_space<vmem>>)
        tpu.yield
      }) : () -> ()
      "tpu.region"() ({
        %run_scoped3A = tpu.sem_alloc : memref<!tpu.dma_semaphore, #tpu.memory_space<semaphore_mem>>
        %dma_start3A_26 = arith.constant 0 : i32
        %dma_start3A_27 = arith.constant 0 : i32
        %dma_start3A_28 = tpu.memref_slice %arg15[%dma_start3A_26, %dma_start3A_27] : memref<10240x128xf32, #tpu.memory_space<vmem_shared>> -> memref<10240x128xf32, #tpu.memory_space<vmem_shared>>
        tpu.enqueue_indirect_dma source(%arg14 : memref<16x128xf32, #tpu.memory_space<vmem>>) target(%dma_start3A_28 : memref<10240x128xf32, #tpu.memory_space<vmem_shared>>) offsets(%arg13 : memref<16xi32, #tpu.memory_space<vmem>>) semaphore(%run_scoped3A : memref<!tpu.dma_semaphore, #tpu.memory_space<semaphore_mem>>) {add = true}
        %dma_wait3A_29 = arith.constant 0 : i32
        %dma_wait3A_30 = arith.constant 0 : i32
        %dma_wait3A_31 = tpu.memref_slice %arg15[%dma_wait3A_29, %dma_wait3A_30] : memref<10240x128xf32, #tpu.memory_space<vmem_shared>> -> memref<10240x128xf32, #tpu.memory_space<vmem_shared>>
        tpu.wait_indirect_dma semaphore(%run_scoped3A : memref<!tpu.dma_semaphore, #tpu.memory_space<semaphore_mem>>) src(%arg14 : memref<16x128xf32, #tpu.memory_space<vmem>>) dst(%dma_wait3A_31 : memref<10240x128xf32, #tpu.memory_space<vmem_shared>>)
        tpu.yield
      }) : () -> ()
      %barrier3A_21 = arith.constant 0 : index
      tpu.barrier barrier_id(%barrier3A_21)
      %mul3A_22 = arith.constant 640 : i32
      %mul3A_23 = arith.muli %arg1, %mul3A_22 : i32
      %mul3A_24 = arith.constant 640 : i32
      %mul3A_25 = arith.muli %arg1, %mul3A_24 : i32
      "tpu.region"() ({
        %run_scoped3A = tpu.sem_alloc : memref<!tpu.dma_semaphore, #tpu.memory_space<semaphore_mem>>
        %dma_start3A_26 = arith.constant 0 : i32
        %dma_start3A_27 = tpu.memref_slice %arg8[%mul3A_25, %dma_start3A_26] : memref<10240x128xf32, #tpu.memory_space<hbm>> -> memref<640x128xf32, #tpu.memory_space<hbm>>
        %dma_start3A_28 = arith.constant 0 : i32
        %dma_start3A_29 = tpu.memref_slice %arg15[%mul3A_23, %dma_start3A_28] : memref<10240x128xf32, #tpu.memory_space<vmem_shared>> -> memref<640x128xf32, #tpu.memory_space<vmem_shared>>
        tpu.enqueue_dma source(%dma_start3A_29 : memref<640x128xf32, #tpu.memory_space<vmem_shared>>) target(%dma_start3A_27 : memref<640x128xf32, #tpu.memory_space<hbm>>) target_semaphore(%run_scoped3A : memref<!tpu.dma_semaphore, #tpu.memory_space<semaphore_mem>>)
        %dma_wait3A_30 = arith.constant 0 : i32
        %dma_wait3A_31 = tpu.memref_slice %arg8[%mul3A_25, %dma_wait3A_30] : memref<10240x128xf32, #tpu.memory_space<hbm>> -> memref<640x128xf32, #tpu.memory_space<hbm>>
        %dma_wait3A_32 = arith.constant 0 : i32
        %dma_wait3A_33 = tpu.memref_slice %arg15[%mul3A_23, %dma_wait3A_32] : memref<10240x128xf32, #tpu.memory_space<vmem_shared>> -> memref<640x128xf32, #tpu.memory_space<vmem_shared>>
        tpu.wait_dma2 semaphore(%run_scoped3A : memref<!tpu.dma_semaphore, #tpu.memory_space<semaphore_mem>>) src(%dma_wait3A_33 : memref<640x128xf32, #tpu.memory_space<vmem_shared>>) dst(%dma_wait3A_31 : memref<640x128xf32, #tpu.memory_space<hbm>>)
        tpu.yield
      }) : () -> ()
    } else {
    }
    return
  }
}

#map = affine_map<(d0, d1) -> (0)>
#map1 = affine_map<(d0, d1) -> (0, 0)>
module attributes {stable_mosaic.version = 14 : i64} {
  func.func @_sc_cnt(%arg0: i32, %arg1: i32, %arg2: memref<160000xi32, #tpu.memory_space<hbm>>, %arg3: memref<160000xi32, #tpu.memory_space<hbm>>, %arg4: memref<10000x128xf32, #tpu.memory_space<hbm>>, %arg5: memref<640x128xf32, #tpu.memory_space<hbm>>, %arg6: memref<10240x128xf32, #tpu.memory_space<hbm>>, %arg7: memref<10240x128xf32, #tpu.memory_space<hbm>>, %arg8: memref<128xi32, #tpu.memory_space<vmem>>, %arg9: memref<128xi32, #tpu.memory_space<vmem>>, %arg10: memref<128x128xf32, #tpu.memory_space<vmem>>, %arg11: memref<8xi32, #tpu.memory_space<vmem>>, %arg12: memref<8xi32, #tpu.memory_space<vmem>>, %arg13: memref<8x128xf32, #tpu.memory_space<vmem>>, %arg14: memref<10240x128xf32, #tpu.memory_space<vmem_shared>>, %arg15: memref<!tpu.dma_semaphore, #tpu.memory_space<semaphore_mem>>) attributes {dimension_semantics = [#tpu.dimension_semantics<core_parallel>, #tpu.dimension_semantics<subcore_parallel>], iteration_bounds = array<i64: 2, 16>, scalar_prefetch = 0 : i64, scratch_operands = 8 : i64, tpu.core_type = #tpu.core_type<sc_vector_subcore>, window_params = [{transform_indices = #map}, {transform_indices = #map}, {transform_indices = #map1}, {transform_indices = #map1}, {transform_indices = #map1}, {transform_indices = #map1}]} {
    %mul3A = arith.constant 640 : i32
    %mul3A_0 = arith.muli %arg1, %mul3A : i32
    "tpu.region"() ({
      %run_scoped3A = tpu.sem_alloc : memref<!tpu.dma_semaphore, #tpu.memory_space<semaphore_mem>>
      %dma_start3A_25 = arith.constant 0 : i32
      %dma_start3A_26 = tpu.memref_slice %arg14[%mul3A_0, %dma_start3A_25] : memref<10240x128xf32, #tpu.memory_space<vmem_shared>> -> memref<640x128xf32, #tpu.memory_space<vmem_shared>>
      tpu.enqueue_dma source(%arg5 : memref<640x128xf32, #tpu.memory_space<hbm>>) target(%dma_start3A_26 : memref<640x128xf32, #tpu.memory_space<vmem_shared>>) target_semaphore(%run_scoped3A : memref<!tpu.dma_semaphore, #tpu.memory_space<semaphore_mem>>)
      %dma_wait3A_27 = arith.constant 0 : i32
      %dma_wait3A_28 = tpu.memref_slice %arg14[%mul3A_0, %dma_wait3A_27] : memref<10240x128xf32, #tpu.memory_space<vmem_shared>> -> memref<640x128xf32, #tpu.memory_space<vmem_shared>>
      tpu.wait_dma2 semaphore(%run_scoped3A : memref<!tpu.dma_semaphore, #tpu.memory_space<semaphore_mem>>) src(%arg5 : memref<640x128xf32, #tpu.memory_space<hbm>>) dst(%dma_wait3A_28 : memref<640x128xf32, #tpu.memory_space<vmem_shared>>)
      tpu.yield
    }) : () -> ()
    %barrier3A = arith.constant 0 : index
    tpu.barrier barrier_id(%barrier3A)
    %mul3A_1 = arith.constant 80000 : i32
    %mul3A_2 = arith.muli %arg0, %mul3A_1 : i32
    %mul3A_3 = arith.constant 5000 : i32
    %mul3A_4 = arith.muli %arg1, %mul3A_3 : i32
    %add3A = arith.addi %mul3A_2, %mul3A_4 : i32
    %scan3A = arith.constant 0 : i32
    %scan3A_5 = arith.constant 0 : i32
    %scan3A_6 = arith.constant 39 : i32
    %scan3A_7 = arith.addi %scan3A_5, %scan3A_6 : i32
    %scan3A_8 = arith.constant 1 : i32
    %scan3A_9 = scf.for %scan3A_25 = %scan3A_5 to %scan3A_7 step %scan3A_8 iter_args(%scan3A_26 = %scan3A) -> (i32)  : i32 {
      %mul3A_27 = arith.constant 128 : i32
      %mul3A_28 = arith.muli %scan3A_25, %mul3A_27 : i32
      %add3A_29 = arith.addi %add3A, %mul3A_28 : i32
      "tpu.region"() ({
        %run_scoped3A = tpu.sem_alloc : memref<!tpu.dma_semaphore, #tpu.memory_space<semaphore_mem>>
        %dma_start3A_37 = tpu.memref_slice %arg3[%add3A_29] : memref<160000xi32, #tpu.memory_space<hbm>> -> memref<128xi32, #tpu.memory_space<hbm>>
        %dma_start3A_38 = tpu.memref_slice %arg3[%add3A_29] : memref<160000xi32, #tpu.memory_space<hbm>> -> memref<128xi32, #tpu.memory_space<hbm>>
        tpu.enqueue_dma source(%dma_start3A_38 : memref<128xi32, #tpu.memory_space<hbm>>) target(%arg9 : memref<128xi32, #tpu.memory_space<vmem>>) target_semaphore(%run_scoped3A : memref<!tpu.dma_semaphore, #tpu.memory_space<semaphore_mem>>)
        %dma_wait3A_39 = tpu.memref_slice %arg3[%add3A_29] : memref<160000xi32, #tpu.memory_space<hbm>> -> memref<128xi32, #tpu.memory_space<hbm>>
        %dma_wait3A_40 = tpu.memref_slice %arg3[%add3A_29] : memref<160000xi32, #tpu.memory_space<hbm>> -> memref<128xi32, #tpu.memory_space<hbm>>
        tpu.wait_dma2 semaphore(%run_scoped3A : memref<!tpu.dma_semaphore, #tpu.memory_space<semaphore_mem>>) src(%dma_wait3A_40 : memref<128xi32, #tpu.memory_space<hbm>>) dst(%arg9 : memref<128xi32, #tpu.memory_space<vmem>>)
        tpu.yield
      }) : () -> ()
      %dma_start3A_30 = arith.constant 0 : i32
      %dma_start3A_31 = arith.constant 0 : i32
      %dma_start3A_32 = tpu.memref_slice %arg4[%dma_start3A_30, %dma_start3A_31] : memref<10000x128xf32, #tpu.memory_space<hbm>> -> memref<10000x128xf32, #tpu.memory_space<hbm>>
      tpu.enqueue_indirect_dma source(%dma_start3A_32 : memref<10000x128xf32, #tpu.memory_space<hbm>>) target(%arg10 : memref<128x128xf32, #tpu.memory_space<vmem>>) offsets(%arg9 : memref<128xi32, #tpu.memory_space<vmem>>) semaphore(%arg15 : memref<!tpu.dma_semaphore, #tpu.memory_space<semaphore_mem>>)
      %dma_wait3A_33 = arith.constant 0 : i32
      %dma_wait3A_34 = arith.constant 0 : i32
      %dma_wait3A_35 = tpu.memref_slice %arg4[%dma_wait3A_33, %dma_wait3A_34] : memref<10000x128xf32, #tpu.memory_space<hbm>> -> memref<10000x128xf32, #tpu.memory_space<hbm>>
      tpu.wait_indirect_dma semaphore(%arg15 : memref<!tpu.dma_semaphore, #tpu.memory_space<semaphore_mem>>) src(%dma_wait3A_35 : memref<10000x128xf32, #tpu.memory_space<hbm>>) dst(%arg10 : memref<128x128xf32, #tpu.memory_space<vmem>>)
      "tpu.region"() ({
        %run_scoped3A = tpu.sem_alloc : memref<!tpu.dma_semaphore, #tpu.memory_space<semaphore_mem>>
        %dma_start3A_37 = tpu.memref_slice %arg2[%add3A_29] : memref<160000xi32, #tpu.memory_space<hbm>> -> memref<128xi32, #tpu.memory_space<hbm>>
        %dma_start3A_38 = tpu.memref_slice %arg2[%add3A_29] : memref<160000xi32, #tpu.memory_space<hbm>> -> memref<128xi32, #tpu.memory_space<hbm>>
        tpu.enqueue_dma source(%dma_start3A_38 : memref<128xi32, #tpu.memory_space<hbm>>) target(%arg8 : memref<128xi32, #tpu.memory_space<vmem>>) target_semaphore(%run_scoped3A : memref<!tpu.dma_semaphore, #tpu.memory_space<semaphore_mem>>)
        %dma_wait3A_39 = tpu.memref_slice %arg2[%add3A_29] : memref<160000xi32, #tpu.memory_space<hbm>> -> memref<128xi32, #tpu.memory_space<hbm>>
        %dma_wait3A_40 = tpu.memref_slice %arg2[%add3A_29] : memref<160000xi32, #tpu.memory_space<hbm>> -> memref<128xi32, #tpu.memory_space<hbm>>
        tpu.wait_dma2 semaphore(%run_scoped3A : memref<!tpu.dma_semaphore, #tpu.memory_space<semaphore_mem>>) src(%dma_wait3A_40 : memref<128xi32, #tpu.memory_space<hbm>>) dst(%arg8 : memref<128xi32, #tpu.memory_space<vmem>>)
        tpu.yield
      }) : () -> ()
      "tpu.region"() ({
        %run_scoped3A = tpu.sem_alloc : memref<!tpu.dma_semaphore, #tpu.memory_space<semaphore_mem>>
        %dma_start3A_37 = arith.constant 0 : i32
        %dma_start3A_38 = arith.constant 0 : i32
        %dma_start3A_39 = tpu.memref_slice %arg14[%dma_start3A_37, %dma_start3A_38] : memref<10240x128xf32, #tpu.memory_space<vmem_shared>> -> memref<10240x128xf32, #tpu.memory_space<vmem_shared>>
        tpu.enqueue_indirect_dma source(%arg10 : memref<128x128xf32, #tpu.memory_space<vmem>>) target(%dma_start3A_39 : memref<10240x128xf32, #tpu.memory_space<vmem_shared>>) offsets(%arg8 : memref<128xi32, #tpu.memory_space<vmem>>) semaphore(%run_scoped3A : memref<!tpu.dma_semaphore, #tpu.memory_space<semaphore_mem>>) {add = true}
        %dma_wait3A_40 = arith.constant 0 : i32
        %dma_wait3A_41 = arith.constant 0 : i32
        %dma_wait3A_42 = tpu.memref_slice %arg14[%dma_wait3A_40, %dma_wait3A_41] : memref<10240x128xf32, #tpu.memory_space<vmem_shared>> -> memref<10240x128xf32, #tpu.memory_space<vmem_shared>>
        tpu.wait_indirect_dma semaphore(%run_scoped3A : memref<!tpu.dma_semaphore, #tpu.memory_space<semaphore_mem>>) src(%arg10 : memref<128x128xf32, #tpu.memory_space<vmem>>) dst(%dma_wait3A_42 : memref<10240x128xf32, #tpu.memory_space<vmem_shared>>)
        tpu.yield
      }) : () -> ()
      %scan3A_36 = arith.constant 0 : i32
      scf.yield %scan3A_36 : i32
    }
    %scan3A_10 = arith.constant 39 : i32
    %add3A_11 = arith.constant 4992 : i32
    %add3A_12 = arith.addi %add3A, %add3A_11 : i32
    "tpu.region"() ({
      %run_scoped3A = tpu.sem_alloc : memref<!tpu.dma_semaphore, #tpu.memory_space<semaphore_mem>>
      %dma_start3A_25 = tpu.memref_slice %arg3[%add3A_12] : memref<160000xi32, #tpu.memory_space<hbm>> -> memref<8xi32, #tpu.memory_space<hbm>>
      %dma_start3A_26 = tpu.memref_slice %arg3[%add3A_12] : memref<160000xi32, #tpu.memory_space<hbm>> -> memref<8xi32, #tpu.memory_space<hbm>>
      tpu.enqueue_dma source(%dma_start3A_26 : memref<8xi32, #tpu.memory_space<hbm>>) target(%arg12 : memref<8xi32, #tpu.memory_space<vmem>>) target_semaphore(%run_scoped3A : memref<!tpu.dma_semaphore, #tpu.memory_space<semaphore_mem>>)
      %dma_wait3A_27 = tpu.memref_slice %arg3[%add3A_12] : memref<160000xi32, #tpu.memory_space<hbm>> -> memref<8xi32, #tpu.memory_space<hbm>>
      %dma_wait3A_28 = tpu.memref_slice %arg3[%add3A_12] : memref<160000xi32, #tpu.memory_space<hbm>> -> memref<8xi32, #tpu.memory_space<hbm>>
      tpu.wait_dma2 semaphore(%run_scoped3A : memref<!tpu.dma_semaphore, #tpu.memory_space<semaphore_mem>>) src(%dma_wait3A_28 : memref<8xi32, #tpu.memory_space<hbm>>) dst(%arg12 : memref<8xi32, #tpu.memory_space<vmem>>)
      tpu.yield
    }) : () -> ()
    %dma_start3A = arith.constant 0 : i32
    %dma_start3A_13 = arith.constant 0 : i32
    %dma_start3A_14 = tpu.memref_slice %arg4[%dma_start3A, %dma_start3A_13] : memref<10000x128xf32, #tpu.memory_space<hbm>> -> memref<10000x128xf32, #tpu.memory_space<hbm>>
    tpu.enqueue_indirect_dma source(%dma_start3A_14 : memref<10000x128xf32, #tpu.memory_space<hbm>>) target(%arg13 : memref<8x128xf32, #tpu.memory_space<vmem>>) offsets(%arg12 : memref<8xi32, #tpu.memory_space<vmem>>) semaphore(%arg15 : memref<!tpu.dma_semaphore, #tpu.memory_space<semaphore_mem>>)
    %dma_wait3A = arith.constant 0 : i32
    %dma_wait3A_15 = arith.constant 0 : i32
    %dma_wait3A_16 = tpu.memref_slice %arg4[%dma_wait3A, %dma_wait3A_15] : memref<10000x128xf32, #tpu.memory_space<hbm>> -> memref<10000x128xf32, #tpu.memory_space<hbm>>
    tpu.wait_indirect_dma semaphore(%arg15 : memref<!tpu.dma_semaphore, #tpu.memory_space<semaphore_mem>>) src(%dma_wait3A_16 : memref<10000x128xf32, #tpu.memory_space<hbm>>) dst(%arg13 : memref<8x128xf32, #tpu.memory_space<vmem>>)
    "tpu.region"() ({
      %run_scoped3A = tpu.sem_alloc : memref<!tpu.dma_semaphore, #tpu.memory_space<semaphore_mem>>
      %dma_start3A_25 = tpu.memref_slice %arg2[%add3A_12] : memref<160000xi32, #tpu.memory_space<hbm>> -> memref<8xi32, #tpu.memory_space<hbm>>
      %dma_start3A_26 = tpu.memref_slice %arg2[%add3A_12] : memref<160000xi32, #tpu.memory_space<hbm>> -> memref<8xi32, #tpu.memory_space<hbm>>
      tpu.enqueue_dma source(%dma_start3A_26 : memref<8xi32, #tpu.memory_space<hbm>>) target(%arg11 : memref<8xi32, #tpu.memory_space<vmem>>) target_semaphore(%run_scoped3A : memref<!tpu.dma_semaphore, #tpu.memory_space<semaphore_mem>>)
      %dma_wait3A_27 = tpu.memref_slice %arg2[%add3A_12] : memref<160000xi32, #tpu.memory_space<hbm>> -> memref<8xi32, #tpu.memory_space<hbm>>
      %dma_wait3A_28 = tpu.memref_slice %arg2[%add3A_12] : memref<160000xi32, #tpu.memory_space<hbm>> -> memref<8xi32, #tpu.memory_space<hbm>>
      tpu.wait_dma2 semaphore(%run_scoped3A : memref<!tpu.dma_semaphore, #tpu.memory_space<semaphore_mem>>) src(%dma_wait3A_28 : memref<8xi32, #tpu.memory_space<hbm>>) dst(%arg11 : memref<8xi32, #tpu.memory_space<vmem>>)
      tpu.yield
    }) : () -> ()
    "tpu.region"() ({
      %run_scoped3A = tpu.sem_alloc : memref<!tpu.dma_semaphore, #tpu.memory_space<semaphore_mem>>
      %dma_start3A_25 = arith.constant 0 : i32
      %dma_start3A_26 = arith.constant 0 : i32
      %dma_start3A_27 = tpu.memref_slice %arg14[%dma_start3A_25, %dma_start3A_26] : memref<10240x128xf32, #tpu.memory_space<vmem_shared>> -> memref<10240x128xf32, #tpu.memory_space<vmem_shared>>
      tpu.enqueue_indirect_dma source(%arg13 : memref<8x128xf32, #tpu.memory_space<vmem>>) target(%dma_start3A_27 : memref<10240x128xf32, #tpu.memory_space<vmem_shared>>) offsets(%arg11 : memref<8xi32, #tpu.memory_space<vmem>>) semaphore(%run_scoped3A : memref<!tpu.dma_semaphore, #tpu.memory_space<semaphore_mem>>) {add = true}
      %dma_wait3A_28 = arith.constant 0 : i32
      %dma_wait3A_29 = arith.constant 0 : i32
      %dma_wait3A_30 = tpu.memref_slice %arg14[%dma_wait3A_28, %dma_wait3A_29] : memref<10240x128xf32, #tpu.memory_space<vmem_shared>> -> memref<10240x128xf32, #tpu.memory_space<vmem_shared>>
      tpu.wait_indirect_dma semaphore(%run_scoped3A : memref<!tpu.dma_semaphore, #tpu.memory_space<semaphore_mem>>) src(%arg13 : memref<8x128xf32, #tpu.memory_space<vmem>>) dst(%dma_wait3A_30 : memref<10240x128xf32, #tpu.memory_space<vmem_shared>>)
      tpu.yield
    }) : () -> ()
    %barrier3A_17 = arith.constant 0 : index
    tpu.barrier barrier_id(%barrier3A_17)
    %eq3A = arith.constant 0 : i32
    %eq3A_18 = arith.cmpi eq, %arg0, %eq3A : i32
    %convert_element_type3A = arith.extui %eq3A_18 : i1 to i32
    %cond3A = arith.constant 0 : i32
    %cond3A_19 = arith.cmpi ne, %convert_element_type3A, %cond3A : i32
    scf.if %cond3A_19 {
      %mul3A_25 = arith.constant 640 : i32
      %mul3A_26 = arith.muli %arg1, %mul3A_25 : i32
      %mul3A_27 = arith.constant 640 : i32
      %mul3A_28 = arith.muli %arg1, %mul3A_27 : i32
      "tpu.region"() ({
        %run_scoped3A = tpu.sem_alloc : memref<!tpu.dma_semaphore, #tpu.memory_space<semaphore_mem>>
        %dma_start3A_29 = arith.constant 0 : i32
        %dma_start3A_30 = tpu.memref_slice %arg6[%mul3A_28, %dma_start3A_29] : memref<10240x128xf32, #tpu.memory_space<hbm>> -> memref<640x128xf32, #tpu.memory_space<hbm>>
        %dma_start3A_31 = arith.constant 0 : i32
        %dma_start3A_32 = tpu.memref_slice %arg14[%mul3A_26, %dma_start3A_31] : memref<10240x128xf32, #tpu.memory_space<vmem_shared>> -> memref<640x128xf32, #tpu.memory_space<vmem_shared>>
        tpu.enqueue_dma source(%dma_start3A_32 : memref<640x128xf32, #tpu.memory_space<vmem_shared>>) target(%dma_start3A_30 : memref<640x128xf32, #tpu.memory_space<hbm>>) target_semaphore(%run_scoped3A : memref<!tpu.dma_semaphore, #tpu.memory_space<semaphore_mem>>)
        %dma_wait3A_33 = arith.constant 0 : i32
        %dma_wait3A_34 = tpu.memref_slice %arg6[%mul3A_28, %dma_wait3A_33] : memref<10240x128xf32, #tpu.memory_space<hbm>> -> memref<640x128xf32, #tpu.memory_space<hbm>>
        %dma_wait3A_35 = arith.constant 0 : i32
        %dma_wait3A_36 = tpu.memref_slice %arg14[%mul3A_26, %dma_wait3A_35] : memref<10240x128xf32, #tpu.memory_space<vmem_shared>> -> memref<640x128xf32, #tpu.memory_space<vmem_shared>>
        tpu.wait_dma2 semaphore(%run_scoped3A : memref<!tpu.dma_semaphore, #tpu.memory_space<semaphore_mem>>) src(%dma_wait3A_36 : memref<640x128xf32, #tpu.memory_space<vmem_shared>>) dst(%dma_wait3A_34 : memref<640x128xf32, #tpu.memory_space<hbm>>)
        tpu.yield
      }) : () -> ()
    } else {
    }
    %eq3A_20 = arith.constant 1 : i32
    %eq3A_21 = arith.cmpi eq, %arg0, %eq3A_20 : i32
    %convert_element_type3A_22 = arith.extui %eq3A_21 : i1 to i32
    %cond3A_23 = arith.constant 0 : i32
    %cond3A_24 = arith.cmpi ne, %convert_element_type3A_22, %cond3A_23 : i32
    scf.if %cond3A_24 {
      %mul3A_25 = arith.constant 640 : i32
      %mul3A_26 = arith.muli %arg1, %mul3A_25 : i32
      %mul3A_27 = arith.constant 640 : i32
      %mul3A_28 = arith.muli %arg1, %mul3A_27 : i32
      "tpu.region"() ({
        %run_scoped3A = tpu.sem_alloc : memref<!tpu.dma_semaphore, #tpu.memory_space<semaphore_mem>>
        %dma_start3A_29 = arith.constant 0 : i32
        %dma_start3A_30 = tpu.memref_slice %arg7[%mul3A_28, %dma_start3A_29] : memref<10240x128xf32, #tpu.memory_space<hbm>> -> memref<640x128xf32, #tpu.memory_space<hbm>>
        %dma_start3A_31 = arith.constant 0 : i32
        %dma_start3A_32 = tpu.memref_slice %arg14[%mul3A_26, %dma_start3A_31] : memref<10240x128xf32, #tpu.memory_space<vmem_shared>> -> memref<640x128xf32, #tpu.memory_space<vmem_shared>>
        tpu.enqueue_dma source(%dma_start3A_32 : memref<640x128xf32, #tpu.memory_space<vmem_shared>>) target(%dma_start3A_30 : memref<640x128xf32, #tpu.memory_space<hbm>>) target_semaphore(%run_scoped3A : memref<!tpu.dma_semaphore, #tpu.memory_space<semaphore_mem>>)
        %dma_wait3A_33 = arith.constant 0 : i32
        %dma_wait3A_34 = tpu.memref_slice %arg7[%mul3A_28, %dma_wait3A_33] : memref<10240x128xf32, #tpu.memory_space<hbm>> -> memref<640x128xf32, #tpu.memory_space<hbm>>
        %dma_wait3A_35 = arith.constant 0 : i32
        %dma_wait3A_36 = tpu.memref_slice %arg14[%mul3A_26, %dma_wait3A_35] : memref<10240x128xf32, #tpu.memory_space<vmem_shared>> -> memref<640x128xf32, #tpu.memory_space<vmem_shared>>
        tpu.wait_dma2 semaphore(%run_scoped3A : memref<!tpu.dma_semaphore, #tpu.memory_space<semaphore_mem>>) src(%dma_wait3A_36 : memref<640x128xf32, #tpu.memory_space<vmem_shared>>) dst(%dma_wait3A_34 : memref<640x128xf32, #tpu.memory_space<hbm>>)
        tpu.yield
      }) : () -> ()
    } else {
    }
    return
  }
}

module attributes {stable_mosaic.version = 14 : i64} {
  func.func @_k1_body(%arg0: i32, %arg1: memref<1000x256xf32, #tpu.memory_space<vmem>>, %arg2: memref<256x256xf32, #tpu.memory_space<vmem>>, %arg3: memref<1x256xf32, #tpu.memory_space<vmem>>, %arg4: memref<256x256xf32, #tpu.memory_space<vmem>>, %arg5: memref<1x256xf32, #tpu.memory_space<vmem>>, %arg6: memref<256x256xf32, #tpu.memory_space<vmem>>, %arg7: memref<1x256xf32, #tpu.memory_space<vmem>>, %arg8: memref<1000x256xf32, #tpu.memory_space<vmem>>, %arg9: memref<1000x128xf32, #tpu.memory_space<vmem>>, %arg10: memref<1000x128xf32, #tpu.memory_space<vmem>>) attributes {dimension_semantics = [#tpu.dimension_semantics<arbitrary>], iteration_bounds = array<i64: 10>, scalar_prefetch = 0 : i64, scratch_operands = 0 : i64, tpu.core_type = #tpu.core_type<tc>, window_params = [{transform_indices = @transform_0, window_bounds = array<i64: 1000, 256>}, {pipeline_mode = #tpu.pipeline_mode<synchronous>, transform_indices = @transform_1, window_bounds = array<i64: 256, 256>}, {pipeline_mode = #tpu.pipeline_mode<synchronous>, transform_indices = @transform_2, window_bounds = array<i64: 1, 256>}, {pipeline_mode = #tpu.pipeline_mode<synchronous>, transform_indices = @transform_3, window_bounds = array<i64: 256, 256>}, {pipeline_mode = #tpu.pipeline_mode<synchronous>, transform_indices = @transform_4, window_bounds = array<i64: 1, 256>}, {pipeline_mode = #tpu.pipeline_mode<synchronous>, transform_indices = @transform_5, window_bounds = array<i64: 256, 256>}, {pipeline_mode = #tpu.pipeline_mode<synchronous>, transform_indices = @transform_6, window_bounds = array<i64: 1, 256>}, {transform_indices = @transform_7, window_bounds = array<i64: 1000, 256>}, {transform_indices = @transform_8, window_bounds = array<i64: 1000, 128>}, {transform_indices = @transform_9, window_bounds = array<i64: 1000, 128>}]} {
    %get3A = arith.constant 0 : index
    %get3A_0 = arith.constant 0 : index
    %get3A_1 = vector.load %arg1[%get3A, %get3A_0] : memref<1000x256xf32, #tpu.memory_space<vmem>>, vector<1000x256xf32>
    %get3A_2 = arith.constant 0 : index
    %get3A_3 = arith.constant 0 : index
    %get3A_4 = vector.load %arg2[%get3A_2, %get3A_3] : memref<256x256xf32, #tpu.memory_space<vmem>>, vector<256x256xf32>
    %dot_general3A = arith.constant dense<0.000000e+00> : vector<1000x256xf32>
    %dot_general3A_5 = tpu.matmul %get3A_1, %get3A_4, %dot_general3A {dimension_numbers = #tpu.dot_dimension_numbers<[1], [0], [0], [1], [0, 0, 1, 1], [], []>, transpose_lhs_hint = false} : vector<1000x256xf32>, vector<256x256xf32>, vector<1000x256xf32> -> vector<1000x256xf32>
    %get3A_6 = arith.constant 0 : index
    %get3A_7 = arith.constant 0 : index
    %get3A_8 = vector.load %arg3[%get3A_6, %get3A_7] : memref<1x256xf32, #tpu.memory_space<vmem>>, vector<1x256xf32>
    %add3A = vector.broadcast %get3A_8 : vector<1x256xf32> to vector<1000x256xf32>
    %add3A_9 = arith.addf %dot_general3A_5, %add3A : vector<1000x256xf32>
    %max3A = arith.constant 0.000000e+00 : f32
    %max3A_10 = vector.broadcast %max3A : f32 to vector<1000x256xf32>
    %max3A_11 = arith.maximumf %add3A_9, %max3A_10 : vector<1000x256xf32>
    %get3A_12 = arith.constant 0 : index
    %get3A_13 = arith.constant 0 : index
    %get3A_14 = vector.load %arg4[%get3A_12, %get3A_13] : memref<256x256xf32, #tpu.memory_space<vmem>>, vector<256x256xf32>
    %dot_general3A_15 = arith.constant dense<0.000000e+00> : vector<1000x256xf32>
    %dot_general3A_16 = tpu.matmul %max3A_11, %get3A_14, %dot_general3A_15 {dimension_numbers = #tpu.dot_dimension_numbers<[1], [0], [0], [1], [0, 0, 1, 1], [], []>, transpose_lhs_hint = false} : vector<1000x256xf32>, vector<256x256xf32>, vector<1000x256xf32> -> vector<1000x256xf32>
    %get3A_17 = arith.constant 0 : index
    %get3A_18 = arith.constant 0 : index
    %get3A_19 = vector.load %arg5[%get3A_17, %get3A_18] : memref<1x256xf32, #tpu.memory_space<vmem>>, vector<1x256xf32>
    %add3A_20 = vector.broadcast %get3A_19 : vector<1x256xf32> to vector<1000x256xf32>
    %add3A_21 = arith.addf %dot_general3A_16, %add3A_20 : vector<1000x256xf32>
    %get3A_22 = arith.constant 0 : index
    %get3A_23 = arith.constant 0 : index
    %get3A_24 = vector.load %arg6[%get3A_22, %get3A_23] : memref<256x256xf32, #tpu.memory_space<vmem>>, vector<256x256xf32>
    %dot_general3A_25 = arith.constant dense<0.000000e+00> : vector<1000x256xf32>
    %dot_general3A_26 = tpu.matmul %add3A_21, %get3A_24, %dot_general3A_25 {dimension_numbers = #tpu.dot_dimension_numbers<[1], [0], [0], [1], [0, 0, 1, 1], [], []>, transpose_lhs_hint = false} : vector<1000x256xf32>, vector<256x256xf32>, vector<1000x256xf32> -> vector<1000x256xf32>
    %get3A_27 = arith.constant 0 : index
    %get3A_28 = arith.constant 0 : index
    %get3A_29 = vector.load %arg7[%get3A_27, %get3A_28] : memref<1x256xf32, #tpu.memory_space<vmem>>, vector<1x256xf32>
    %add3A_30 = vector.broadcast %get3A_29 : vector<1x256xf32> to vector<1000x256xf32>
    %add3A_31 = arith.addf %dot_general3A_26, %add3A_30 : vector<1000x256xf32>
    %max3A_32 = arith.constant 0.000000e+00 : f32
    %max3A_33 = vector.broadcast %max3A_32 : f32 to vector<1000x256xf32>
    %max3A_34 = arith.maximumf %add3A_31, %max3A_33 : vector<1000x256xf32>
    %swap3A = arith.constant 0 : index
    %swap3A_35 = arith.constant 0 : index
    %swap3A_36 = vector.load %arg8[%swap3A, %swap3A_35] : memref<1000x256xf32, #tpu.memory_space<vmem>>, vector<1000x256xf32>
    tpu.vector_store %arg8[%swap3A, %swap3A_35], %add3A_21 {strides = array<i32>} : memref<1000x256xf32, #tpu.memory_space<vmem>>, vector<1000x256xf32>,
    %slice3A = vector.extract_strided_slice %max3A_34 {offsets = [0, 0], sizes = [1000, 128], strides = [1, 1]} : vector<1000x256xf32> to vector<1000x128xf32>
    %swap3A_37 = arith.constant 0 : index
    %swap3A_38 = arith.constant 0 : index
    %swap3A_39 = vector.load %arg9[%swap3A_37, %swap3A_38] : memref<1000x128xf32, #tpu.memory_space<vmem>>, vector<1000x128xf32>
    tpu.vector_store %arg9[%swap3A_37, %swap3A_38], %slice3A {strides = array<i32>} : memref<1000x128xf32, #tpu.memory_space<vmem>>, vector<1000x128xf32>,
    %slice3A_40 = vector.extract_strided_slice %max3A_34 {offsets = [0, 128], sizes = [1000, 128], strides = [1, 1]} : vector<1000x256xf32> to vector<1000x128xf32>
    %swap3A_41 = arith.constant 0 : index
    %swap3A_42 = arith.constant 0 : index
    %swap3A_43 = vector.load %arg10[%swap3A_41, %swap3A_42] : memref<1000x128xf32, #tpu.memory_space<vmem>>, vector<1000x128xf32>
    tpu.vector_store %arg10[%swap3A_41, %swap3A_42], %slice3A_40 {strides = array<i32>} : memref<1000x128xf32, #tpu.memory_space<vmem>>, vector<1000x128xf32>,
    return
  }
  func.func @transform_0(%arg0: i32) -> (i32, i32) {
    %c0_i32 = arith.constant 0 : i32
    %c0_i32_0 = arith.constant 0 : i32
    return %arg0, %c0_i32 : i32, i32
  }
  func.func @transform_1(%arg0: i32) -> (i32, i32) {
    %c0_i32 = arith.constant 0 : i32
    %c0_i32_0 = arith.constant 0 : i32
    %c0_i32_1 = arith.constant 0 : i32
    return %c0_i32, %c0_i32_0 : i32, i32
  }
  func.func @transform_2(%arg0: i32) -> (i32, i32) {
    %c0_i32 = arith.constant 0 : i32
    %c0_i32_0 = arith.constant 0 : i32
    %c0_i32_1 = arith.constant 0 : i32
    return %c0_i32, %c0_i32_0 : i32, i32
  }
  func.func @transform_3(%arg0: i32) -> (i32, i32) {
    %c0_i32 = arith.constant 0 : i32
    %c0_i32_0 = arith.constant 0 : i32
    %c0_i32_1 = arith.constant 0 : i32
    return %c0_i32, %c0_i32_0 : i32, i32
  }
  func.func @transform_4(%arg0: i32) -> (i32, i32) {
    %c0_i32 = arith.constant 0 : i32
    %c0_i32_0 = arith.constant 0 : i32
    %c0_i32_1 = arith.constant 0 : i32
    return %c0_i32, %c0_i32_0 : i32, i32
  }
  func.func @transform_5(%arg0: i32) -> (i32, i32) {
    %c0_i32 = arith.constant 0 : i32
    %c0_i32_0 = arith.constant 0 : i32
    %c0_i32_1 = arith.constant 0 : i32
    return %c0_i32, %c0_i32_0 : i32, i32
  }
  func.func @transform_6(%arg0: i32) -> (i32, i32) {
    %c0_i32 = arith.constant 0 : i32
    %c0_i32_0 = arith.constant 0 : i32
    %c0_i32_1 = arith.constant 0 : i32
    return %c0_i32, %c0_i32_0 : i32, i32
  }
  func.func @transform_7(%arg0: i32) -> (i32, i32) {
    %c0_i32 = arith.constant 0 : i32
    %c0_i32_0 = arith.constant 0 : i32
    return %arg0, %c0_i32 : i32, i32
  }
  func.func @transform_8(%arg0: i32) -> (i32, i32) {
    %c0_i32 = arith.constant 0 : i32
    %c0_i32_0 = arith.constant 0 : i32
    return %arg0, %c0_i32 : i32, i32
  }
  func.func @transform_9(%arg0: i32) -> (i32, i32) {
    %c0_i32 = arith.constant 0 : i32
    %c0_i32_0 = arith.constant 0 : i32
    return %arg0, %c0_i32 : i32, i32
  }
}

module attributes {stable_mosaic.version = 14 : i64} {
  func.func @_k2a_body(%arg0: i32, %arg1: memref<1000x128xf32, #tpu.memory_space<vmem>>, %arg2: memref<1000x128xf32, #tpu.memory_space<vmem>>, %arg3: memref<1000x256xf32, #tpu.memory_space<vmem>>, %arg4: memref<512x1xf32, #tpu.memory_space<vmem>>, %arg5: memref<1000x1xf32, #tpu.memory_space<vmem>>) attributes {dimension_semantics = [#tpu.dimension_semantics<arbitrary>], iteration_bounds = array<i64: 10>, scalar_prefetch = 0 : i64, scratch_operands = 0 : i64, tpu.core_type = #tpu.core_type<tc>, window_params = [{transform_indices = @transform_0, window_bounds = array<i64: 1000, 128>}, {transform_indices = @transform_1, window_bounds = array<i64: 1000, 128>}, {transform_indices = @transform_2, window_bounds = array<i64: 1000, 256>}, {pipeline_mode = #tpu.pipeline_mode<synchronous>, transform_indices = @transform_3, window_bounds = array<i64: 512, 1>}, {transform_indices = @transform_4, window_bounds = array<i64: 1000, 1>}]} {
    %get3A = arith.constant 0 : index
    %get3A_0 = arith.constant 0 : index
    %get3A_1 = vector.load %arg4[%get3A, %get3A_0] : memref<512x1xf32, #tpu.memory_space<vmem>>, vector<512x1xf32>
    %mul3A = arith.mulf %get3A_1, %get3A_1 : vector<512x1xf32>
    %reduce_sum3A = vector.shape_cast %mul3A : vector<512x1xf32> to vector<1x512x1xf32>
    %reduce_sum3A_2 = arith.constant dense<0.000000e+00> : vector<1xf32>
    %reduce_sum3A_3 = vector.multi_reduction <add>, %reduce_sum3A, %reduce_sum3A_2 [1, 2] : vector<1x512x1xf32> to vector<1xf32>
    %reduce_sum3A_4 = vector.shape_cast %reduce_sum3A_3 : vector<1xf32> to vector<1x1x1xf32>
    %reduce_sum3A_5 = vector.extract %reduce_sum3A_4[0, 0, 0] : f32 from vector<1x1x1xf32>
    %rsqrt3A = math.rsqrt %reduce_sum3A_5 : f32
    %mul3A_6 = vector.broadcast %rsqrt3A : f32 to vector<512x1xf32>
    %mul3A_7 = arith.mulf %get3A_1, %mul3A_6 : vector<512x1xf32>
    %get3A_8 = arith.constant 0 : index
    %get3A_9 = arith.constant 0 : index
    %get3A_10 = vector.load %arg1[%get3A_8, %get3A_9] : memref<1000x128xf32, #tpu.memory_space<vmem>>, vector<1000x128xf32>
    %slice3A = vector.extract_strided_slice %mul3A_7 {offsets = [0, 0], sizes = [128, 1], strides = [1, 1]} : vector<512x1xf32> to vector<128x1xf32>
    %dot_general3A = arith.constant dense<0.000000e+00> : vector<1000x1xf32>
    %dot_general3A_11 = tpu.matmul %get3A_10, %slice3A, %dot_general3A {dimension_numbers = #tpu.dot_dimension_numbers<[1], [0], [0], [1], [0, 0, 1, 1], [], []>, transpose_lhs_hint = false} : vector<1000x128xf32>, vector<128x1xf32>, vector<1000x1xf32> -> vector<1000x1xf32>
    %get3A_12 = arith.constant 0 : index
    %get3A_13 = arith.constant 0 : index
    %get3A_14 = vector.load %arg2[%get3A_12, %get3A_13] : memref<1000x128xf32, #tpu.memory_space<vmem>>, vector<1000x128xf32>
    %slice3A_15 = vector.extract_strided_slice %mul3A_7 {offsets = [128, 0], sizes = [128, 1], strides = [1, 1]} : vector<512x1xf32> to vector<128x1xf32>
    %dot_general3A_16 = arith.constant dense<0.000000e+00> : vector<1000x1xf32>
    %dot_general3A_17 = tpu.matmul %get3A_14, %slice3A_15, %dot_general3A_16 {dimension_numbers = #tpu.dot_dimension_numbers<[1], [0], [0], [1], [0, 0, 1, 1], [], []>, transpose_lhs_hint = false} : vector<1000x128xf32>, vector<128x1xf32>, vector<1000x1xf32> -> vector<1000x1xf32>
    %add3A = arith.addf %dot_general3A_11, %dot_general3A_17 : vector<1000x1xf32>
    %get3A_18 = arith.constant 0 : index
    %get3A_19 = arith.constant 0 : index
    %get3A_20 = vector.load %arg3[%get3A_18, %get3A_19] : memref<1000x256xf32, #tpu.memory_space<vmem>>, vector<1000x256xf32>
    %slice3A_21 = vector.extract_strided_slice %mul3A_7 {offsets = [256, 0], sizes = [256, 1], strides = [1, 1]} : vector<512x1xf32> to vector<256x1xf32>
    %dot_general3A_22 = arith.constant dense<0.000000e+00> : vector<1000x1xf32>
    %dot_general3A_23 = tpu.matmul %get3A_20, %slice3A_21, %dot_general3A_22 {dimension_numbers = #tpu.dot_dimension_numbers<[1], [0], [0], [1], [0, 0, 1, 1], [], []>, transpose_lhs_hint = false} : vector<1000x256xf32>, vector<256x1xf32>, vector<1000x1xf32> -> vector<1000x1xf32>
    %add3A_24 = arith.addf %add3A, %dot_general3A_23 : vector<1000x1xf32>
    %swap3A = arith.constant 0 : index
    %swap3A_25 = arith.constant 0 : index
    %swap3A_26 = vector.load %arg5[%swap3A, %swap3A_25] : memref<1000x1xf32, #tpu.memory_space<vmem>>, vector<1000x1xf32>
    tpu.vector_store %arg5[%swap3A, %swap3A_25], %add3A_24 {strides = array<i32>} : memref<1000x1xf32, #tpu.memory_space<vmem>>, vector<1000x1xf32>,
    return
  }
  func.func @transform_0(%arg0: i32) -> (i32, i32) {
    %c0_i32 = arith.constant 0 : i32
    %c0_i32_0 = arith.constant 0 : i32
    return %arg0, %c0_i32 : i32, i32
  }
  func.func @transform_1(%arg0: i32) -> (i32, i32) {
    %c0_i32 = arith.constant 0 : i32
    %c0_i32_0 = arith.constant 0 : i32
    return %arg0, %c0_i32 : i32, i32
  }
  func.func @transform_2(%arg0: i32) -> (i32, i32) {
    %c0_i32 = arith.constant 0 : i32
    %c0_i32_0 = arith.constant 0 : i32
    return %arg0, %c0_i32 : i32, i32
  }
  func.func @transform_3(%arg0: i32) -> (i32, i32) {
    %c0_i32 = arith.constant 0 : i32
    %c0_i32_0 = arith.constant 0 : i32
    %c0_i32_1 = arith.constant 0 : i32
    return %c0_i32, %c0_i32_0 : i32, i32
  }
  func.func @transform_4(%arg0: i32) -> (i32, i32) {
    %c0_i32 = arith.constant 0 : i32
    %c0_i32_0 = arith.constant 0 : i32
    return %arg0, %c0_i32 : i32, i32
  }
}

module attributes {stable_mosaic.version = 14 : i64} {
  func.func @_k2b_body(%arg0: memref<80x128xf32, #tpu.memory_space<vmem>>, %arg1: memref<80x128xf32, #tpu.memory_space<vmem>>, %arg2: memref<80x128xf32, #tpu.memory_space<vmem>>) attributes {dimension_semantics = [], scalar_prefetch = 0 : i64, scratch_operands = 0 : i64, tpu.core_type = #tpu.core_type<tc>} {
    %get3A = arith.constant 0 : index
    %get3A_0 = arith.constant 0 : index
    %get3A_1 = vector.load %arg0[%get3A, %get3A_0] : memref<80x128xf32, #tpu.memory_space<vmem>>, vector<80x128xf32>
    %bitcast_convert_type3A = tpu.bitcast %get3A_1 : vector<80x128xf32> -> vector<80x128xi32>
    %ge3A = arith.constant -2147483648 : i32
    %ge3A_2 = vector.broadcast %ge3A : i32 to vector<80x128xi32>
    %ge3A_3 = arith.cmpi uge, %bitcast_convert_type3A, %ge3A_2 : vector<80x128xi32>
    %not3A = arith.constant dense<-1> : vector<80x128xi32>
    %not3A_4 = arith.xori %bitcast_convert_type3A, %not3A : vector<80x128xi32>
    %or3A = arith.constant -2147483648 : i32
    %or3A_5 = vector.broadcast %or3A : i32 to vector<80x128xi32>
    %or3A_6 = arith.ori %bitcast_convert_type3A, %or3A_5 : vector<80x128xi32>
    %select_n3A = arith.select %ge3A_3, %not3A_4, %or3A_6 : vector<80x128xi1>, vector<80x128xi32>
    %iota3A = tpu.iota {dimensions = array<i32: 0>} : vector<80x128xi32>
    %iota3A_7 = tpu.iota {dimensions = array<i32: 1>} : vector<80x128xi32>
    %mul3A = arith.constant 128 : i32
    %mul3A_8 = vector.broadcast %mul3A : i32 to vector<80x128xi32>
    %mul3A_9 = arith.muli %iota3A, %mul3A_8 : vector<80x128xi32>
    %add3A = arith.addi %mul3A_9, %iota3A_7 : vector<80x128xi32>
    %lt3A = arith.constant 10000 : i32
    %lt3A_10 = vector.broadcast %lt3A : i32 to vector<80x128xi32>
    %lt3A_11 = arith.cmpi slt, %add3A, %lt3A_10 : vector<80x128xi32>
    %jit3A = arith.constant 0 : i32
    %broadcast_in_dim3A = vector.broadcast %jit3A : i32 to vector<80x128xi32>
    %select_n3A_12 = arith.select %lt3A_11, %select_n3A, %broadcast_in_dim3A : vector<80x128xi1>, vector<80x128xi32>
    %sub3A = arith.constant -1 : i32
    %sub3A_13 = vector.broadcast %sub3A : i32 to vector<80x128xi32>
    %sub3A_14 = arith.subi %sub3A_13, %add3A : vector<80x128xi32>
    %jit3A_15 = arith.constant 0 : i32
    %broadcast_in_dim3A_16 = vector.broadcast %jit3A_15 : i32 to vector<80x128xi32>
    %select_n3A_17 = arith.select %lt3A_11, %sub3A_14, %broadcast_in_dim3A_16 : vector<80x128xi1>, vector<80x128xi32>
    %scan3A = arith.constant 0 : i32
    %scan3A_18 = arith.constant 0 : i32
    %scan3A_19 = arith.constant 0 : i32
    %scan3A_20 = arith.constant 64 : i32
    %scan3A_21 = arith.addi %scan3A_19, %scan3A_20 : i32
    %scan3A_22 = arith.constant 1 : i32
    %scan3A_23:2 = scf.for %scan3A_54 = %scan3A_19 to %scan3A_21 step %scan3A_22 iter_args(%scan3A_55 = %scan3A, %scan3A_56 = %scan3A_18) -> (i32, i32)  : i32 {
      %sub3A_57 = arith.constant 63 : i32
      %sub3A_58 = arith.subi %sub3A_57, %scan3A_54 : i32
      %ge3A_59 = arith.constant 32 : i32
      %ge3A_60 = arith.cmpi sge, %sub3A_58, %ge3A_59 : i32
      %sub3A_61 = arith.constant 32 : i32
      %sub3A_62 = arith.subi %sub3A_58, %sub3A_61 : i32
      %jit3A_63 = arith.constant 0 : i32
      %select_n3A_64 = arith.select %ge3A_60, %sub3A_62, %jit3A_63 : i32
      %jit3A_65 = arith.constant 0 : i32
      %select_n3A_66 = arith.select %ge3A_60, %jit3A_65, %sub3A_58 : i32
      %shift_left3A = arith.constant 1 : i32
      %shift_left3A_67 = arith.shli %shift_left3A, %select_n3A_64 : i32
      %or3A_68 = arith.ori %scan3A_55, %shift_left3A_67 : i32
      %select_n3A_69 = arith.select %ge3A_60, %or3A_68, %scan3A_55 : i32
      %shift_left3A_70 = arith.constant 1 : i32
      %shift_left3A_71 = arith.shli %shift_left3A_70, %select_n3A_66 : i32
      %or3A_72 = arith.ori %scan3A_56, %shift_left3A_71 : i32
      %select_n3A_73 = arith.select %ge3A_60, %scan3A_56, %or3A_72 : i32
      %xor3A_74 = arith.constant -2147483648 : i32
      %xor3A_75 = vector.broadcast %xor3A_74 : i32 to vector<80x128xi32>
      %xor3A_76 = arith.xori %select_n3A_12, %xor3A_75 : vector<80x128xi32>
      %bitcast_convert_type3A_77 = tpu.bitcast %xor3A_76 : vector<80x128xi32> -> vector<80x128xi32>
      %xor3A_78 = arith.constant -2147483648 : i32
      %xor3A_79 = arith.xori %select_n3A_69, %xor3A_78 : i32
      %bitcast_convert_type3A_80 = arith.bitcast %xor3A_79 : i32 to i32
      %gt3A_81 = vector.broadcast %bitcast_convert_type3A_80 : i32 to vector<80x128xi32>
      %gt3A_82 = arith.cmpi sgt, %bitcast_convert_type3A_77, %gt3A_81 : vector<80x128xi32>
      %eq3A_83 = vector.broadcast %select_n3A_69 : i32 to vector<80x128xi32>
      %eq3A_84 = arith.cmpi eq, %select_n3A_12, %eq3A_83 : vector<80x128xi32>
      %xor3A_85 = arith.constant -2147483648 : i32
      %xor3A_86 = vector.broadcast %xor3A_85 : i32 to vector<80x128xi32>
      %xor3A_87 = arith.xori %select_n3A_17, %xor3A_86 : vector<80x128xi32>
      %bitcast_convert_type3A_88 = tpu.bitcast %xor3A_87 : vector<80x128xi32> -> vector<80x128xi32>
      %xor3A_89 = arith.constant -2147483648 : i32
      %xor3A_90 = arith.xori %select_n3A_73, %xor3A_89 : i32
      %bitcast_convert_type3A_91 = arith.bitcast %xor3A_90 : i32 to i32
      %ge3A_92 = vector.broadcast %bitcast_convert_type3A_91 : i32 to vector<80x128xi32>
      %ge3A_93 = arith.cmpi sge, %bitcast_convert_type3A_88, %ge3A_92 : vector<80x128xi32>
      %and3A_94 = arith.andi %eq3A_84, %ge3A_93 : vector<80x128xi1>
      %or3A_95 = arith.ori %gt3A_82, %and3A_94 : vector<80x128xi1>
      %convert_element_type3A_96 = arith.extui %or3A_95 : vector<80x128xi1> to vector<80x128xi32>
      %reduce_sum3A = vector.shape_cast %convert_element_type3A_96 : vector<80x128xi32> to vector<1x80x128xi32>
      %reduce_sum3A_97 = arith.constant dense<0> : vector<1xi32>
      %reduce_sum3A_98 = vector.multi_reduction <add>, %reduce_sum3A, %reduce_sum3A_97 [1, 2] : vector<1x80x128xi32> to vector<1xi32>
      %reduce_sum3A_99 = vector.shape_cast %reduce_sum3A_98 : vector<1xi32> to vector<1x1x1xi32>
      %reduce_sum3A_100 = vector.extract %reduce_sum3A_99[0, 0, 0] : i32 from vector<1x1x1xi32>
      %ge3A_101 = arith.constant 5000 : i32
      %ge3A_102 = arith.cmpi sge, %reduce_sum3A_100, %ge3A_101 : i32
      %select_n3A_103 = arith.select %ge3A_102, %select_n3A_69, %scan3A_55 : i32
      %select_n3A_104 = arith.select %ge3A_102, %select_n3A_73, %scan3A_56 : i32
      scf.yield %select_n3A_103, %select_n3A_104 : i32, i32
    }
    %scan3A_24 = arith.constant 64 : i32
    %xor3A = arith.constant -2147483648 : i32
    %xor3A_25 = vector.broadcast %xor3A : i32 to vector<80x128xi32>
    %xor3A_26 = arith.xori %select_n3A_12, %xor3A_25 : vector<80x128xi32>
    %bitcast_convert_type3A_27 = tpu.bitcast %xor3A_26 : vector<80x128xi32> -> vector<80x128xi32>
    %xor3A_28 = arith.constant -2147483648 : i32
    %xor3A_29 = arith.xori %scan3A_23#0, %xor3A_28 : i32
    %bitcast_convert_type3A_30 = arith.bitcast %xor3A_29 : i32 to i32
    %gt3A = vector.broadcast %bitcast_convert_type3A_30 : i32 to vector<80x128xi32>
    %gt3A_31 = arith.cmpi sgt, %bitcast_convert_type3A_27, %gt3A : vector<80x128xi32>
    %eq3A = vector.broadcast %scan3A_23#0 : i32 to vector<80x128xi32>
    %eq3A_32 = arith.cmpi eq, %select_n3A_12, %eq3A : vector<80x128xi32>
    %xor3A_33 = arith.constant -2147483648 : i32
    %xor3A_34 = vector.broadcast %xor3A_33 : i32 to vector<80x128xi32>
    %xor3A_35 = arith.xori %select_n3A_17, %xor3A_34 : vector<80x128xi32>
    %bitcast_convert_type3A_36 = tpu.bitcast %xor3A_35 : vector<80x128xi32> -> vector<80x128xi32>
    %xor3A_37 = arith.constant -2147483648 : i32
    %xor3A_38 = arith.xori %scan3A_23#1, %xor3A_37 : i32
    %bitcast_convert_type3A_39 = arith.bitcast %xor3A_38 : i32 to i32
    %ge3A_40 = vector.broadcast %bitcast_convert_type3A_39 : i32 to vector<80x128xi32>
    %ge3A_41 = arith.cmpi sge, %bitcast_convert_type3A_36, %ge3A_40 : vector<80x128xi32>
    %and3A = arith.andi %eq3A_32, %ge3A_41 : vector<80x128xi1>
    %or3A_42 = arith.ori %gt3A_31, %and3A : vector<80x128xi1>
    %convert_element_type3A = arith.extui %or3A_42 : vector<80x128xi1> to vector<80x128xi32>
    %convert_element_type3A_43 = arith.sitofp %convert_element_type3A : vector<80x128xi32> to vector<80x128xf32>
    %swap3A = arith.constant 0 : index
    %swap3A_44 = arith.constant 0 : index
    %swap3A_45 = vector.load %arg1[%swap3A, %swap3A_44] : memref<80x128xf32, #tpu.memory_space<vmem>>, vector<80x128xf32>
    tpu.vector_store %arg1[%swap3A, %swap3A_44], %convert_element_type3A_43 {strides = array<i32>} : memref<80x128xf32, #tpu.memory_space<vmem>>, vector<80x128xf32>,
    %neg3A = arith.constant 0.000000e+00 : f32
    %neg3A_46 = vector.broadcast %neg3A : f32 to vector<80x128xf32>
    %neg3A_47 = arith.subf %neg3A_46, %get3A_1 : vector<80x128xf32>
    %exp3A = math.exp %neg3A_47 : vector<80x128xf32>
    %add3A_48 = arith.constant 1.000000e+00 : f32
    %add3A_49 = vector.broadcast %add3A_48 : f32 to vector<80x128xf32>
    %add3A_50 = arith.addf %add3A_49, %exp3A : vector<80x128xf32>
    %div3A = arith.divf %convert_element_type3A_43, %add3A_50 : vector<80x128xf32>
    %swap3A_51 = arith.constant 0 : index
    %swap3A_52 = arith.constant 0 : index
    %swap3A_53 = vector.load %arg2[%swap3A_51, %swap3A_52] : memref<80x128xf32, #tpu.memory_space<vmem>>, vector<80x128xf32>
    tpu.vector_store %arg2[%swap3A_51, %swap3A_52], %div3A {strides = array<i32>} : memref<80x128xf32, #tpu.memory_space<vmem>>, vector<80x128xf32>,
    return
  }
}

module attributes {stable_mosaic.version = 14 : i64} {
  func.func @_k3_body(%arg0: i32, %arg1: memref<1000x128xf32, #tpu.memory_space<vmem>>, %arg2: memref<1000x128xf32, #tpu.memory_space<vmem>>, %arg3: memref<1000x256xf32, #tpu.memory_space<vmem>>, %arg4: memref<1000x16xf32, #tpu.memory_space<vmem>>, %arg5: memref<1000x128xf32, #tpu.memory_space<vmem>>, %arg6: memref<1000x128xf32, #tpu.memory_space<vmem>>, %arg7: memref<1000x128xf32, #tpu.memory_space<vmem>>, %arg8: memref<512x256xf32, #tpu.memory_space<vmem>>, %arg9: memref<1x256xf32, #tpu.memory_space<vmem>>, %arg10: memref<768x256xf32, #tpu.memory_space<vmem>>, %arg11: memref<1x256xf32, #tpu.memory_space<vmem>>, %arg12: memref<256x10xf32, #tpu.memory_space<vmem>>, %arg13: memref<1x10xf32, #tpu.memory_space<vmem>>, %arg14: memref<1x10xf32, #tpu.memory_space<vmem>>, %arg15: memref<1x768xf32, #tpu.memory_space<vmem>>) attributes {dimension_semantics = [#tpu.dimension_semantics<arbitrary>], iteration_bounds = array<i64: 10>, scalar_prefetch = 0 : i64, scratch_operands = 1 : i64, tpu.core_type = #tpu.core_type<tc>, window_params = [{transform_indices = @transform_0, window_bounds = array<i64: 1000, 128>}, {transform_indices = @transform_1, window_bounds = array<i64: 1000, 128>}, {transform_indices = @transform_2, window_bounds = array<i64: 1000, 256>}, {transform_indices = @transform_3, window_bounds = array<i64: 1000, 16>}, {transform_indices = @transform_4, window_bounds = array<i64: 1000, 128>}, {transform_indices = @transform_5, window_bounds = array<i64: 1000, 128>}, {transform_indices = @transform_6, window_bounds = array<i64: 1000, 128>}, {pipeline_mode = #tpu.pipeline_mode<synchronous>, transform_indices = @transform_7, window_bounds = array<i64: 512, 256>}, {pipeline_mode = #tpu.pipeline_mode<synchronous>, transform_indices = @transform_8, window_bounds = array<i64: 1, 256>}, {pipeline_mode = #tpu.pipeline_mode<synchronous>, transform_indices = @transform_9, window_bounds = array<i64: 768, 256>}, {pipeline_mode = #tpu.pipeline_mode<synchronous>, transform_indices = @transform_10, window_bounds = array<i64: 1, 256>}, {pipeline_mode = #tpu.pipeline_mode<synchronous>, transform_indices = @transform_11, window_bounds = array<i64: 256, 10>}, {pipeline_mode = #tpu.pipeline_mode<synchronous>, transform_indices = @transform_12, window_bounds = array<i64: 1, 10>}, {pipeline_mode = #tpu.pipeline_mode<synchronous>, transform_indices = @transform_13, window_bounds = array<i64: 1, 10>}]} {
    %eq3A = arith.constant 0 : i32
    %eq3A_0 = arith.cmpi eq, %arg0, %eq3A : i32
    %convert_element_type3A = arith.extui %eq3A_0 : i1 to i32
    %cond3A = arith.constant 0 : i32
    %cond3A_1 = arith.cmpi ne, %convert_element_type3A, %cond3A : i32
    scf.if %cond3A_1 {
      %broadcast_in_dim3A_56 = arith.constant 0.000000e+00 : f32
      %broadcast_in_dim3A_57 = vector.broadcast %broadcast_in_dim3A_56 : f32 to vector<1x768xf32>
      %swap3A_58 = arith.constant 0 : index
      %swap3A_59 = arith.constant 0 : index
      %swap3A_60 = vector.load %arg15[%swap3A_58, %swap3A_59] : memref<1x768xf32, #tpu.memory_space<vmem>>, vector<1x768xf32>
      tpu.vector_store %arg15[%swap3A_58, %swap3A_59], %broadcast_in_dim3A_57 {strides = array<i32>} : memref<1x768xf32, #tpu.memory_space<vmem>>, vector<1x768xf32>,
    } else {
    }
    %get3A = arith.constant 0 : index
    %get3A_2 = arith.constant 0 : index
    %get3A_3 = vector.load %arg4[%get3A, %get3A_2] : memref<1000x16xf32, #tpu.memory_space<vmem>>, vector<1000x16xf32>
    %slice3A = vector.extract_strided_slice %get3A_3 {offsets = [0, 0], sizes = [1000, 1], strides = [1, 1]} : vector<1000x16xf32> to vector<1000x1xf32>
    %get3A_4 = arith.constant 0 : index
    %get3A_5 = arith.constant 0 : index
    %get3A_6 = vector.load %arg1[%get3A_4, %get3A_5] : memref<1000x128xf32, #tpu.memory_space<vmem>>, vector<1000x128xf32>
    %get3A_7 = arith.constant 0 : index
    %get3A_8 = arith.constant 0 : index
    %get3A_9 = vector.load %arg2[%get3A_7, %get3A_8] : memref<1000x128xf32, #tpu.memory_space<vmem>>, vector<1000x128xf32>
    %get3A_10 = arith.constant 0 : index
    %get3A_11 = arith.constant 0 : index
    %get3A_12 = vector.load %arg3[%get3A_10, %get3A_11] : memref<1000x256xf32, #tpu.memory_space<vmem>>, vector<1000x256xf32>
    %concatenate3A = tpu.concatenate %get3A_6, %get3A_9, %get3A_12 in 1 : vector<1000x128xf32>, vector<1000x128xf32>, vector<1000x256xf32> -> vector<1000x512xf32>
    %mul3A = vector.broadcast %slice3A : vector<1000x1xf32> to vector<1000x512xf32>
    %mul3A_13 = arith.mulf %concatenate3A, %mul3A : vector<1000x512xf32>
    %get3A_14 = arith.constant 0 : index
    %get3A_15 = arith.constant 0 : index
    %get3A_16 = vector.load %arg8[%get3A_14, %get3A_15] : memref<512x256xf32, #tpu.memory_space<vmem>>, vector<512x256xf32>
    %dot_general3A = arith.constant dense<0.000000e+00> : vector<1000x256xf32>
    %dot_general3A_17 = tpu.matmul %mul3A_13, %get3A_16, %dot_general3A {dimension_numbers = #tpu.dot_dimension_numbers<[1], [0], [0], [1], [0, 0, 1, 1], [], []>, transpose_lhs_hint = false} : vector<1000x512xf32>, vector<512x256xf32>, vector<1000x256xf32> -> vector<1000x256xf32>
    %get3A_18 = arith.constant 0 : index
    %get3A_19 = arith.constant 0 : index
    %get3A_20 = vector.load %arg9[%get3A_18, %get3A_19] : memref<1x256xf32, #tpu.memory_space<vmem>>, vector<1x256xf32>
    %add3A = vector.broadcast %get3A_20 : vector<1x256xf32> to vector<1000x256xf32>
    %add3A_21 = arith.addf %dot_general3A_17, %add3A : vector<1000x256xf32>
    %max3A = arith.constant 0.000000e+00 : f32
    %max3A_22 = vector.broadcast %max3A : f32 to vector<1000x256xf32>
    %max3A_23 = arith.maximumf %add3A_21, %max3A_22 : vector<1000x256xf32>
    %get3A_24 = arith.constant 0 : index
    %get3A_25 = arith.constant 0 : index
    %get3A_26 = vector.load %arg5[%get3A_24, %get3A_25] : memref<1000x128xf32, #tpu.memory_space<vmem>>, vector<1000x128xf32>
    %slice3A_27 = vector.extract_strided_slice %get3A_26 {offsets = [0, 0], sizes = [1000, 1], strides = [1, 1]} : vector<1000x128xf32> to vector<1000x1xf32>
    %get3A_28 = arith.constant 0 : index
    %get3A_29 = arith.constant 0 : index
    %get3A_30 = vector.load %arg6[%get3A_28, %get3A_29] : memref<1000x128xf32, #tpu.memory_space<vmem>>, vector<1000x128xf32>
    %slice3A_31 = vector.extract_strided_slice %get3A_30 {offsets = [0, 0], sizes = [1000, 1], strides = [1, 1]} : vector<1000x128xf32> to vector<1000x1xf32>
    %get3A_32 = arith.constant 0 : index
    %get3A_33 = arith.constant 0 : index
    %get3A_34 = vector.load %arg7[%get3A_32, %get3A_33] : memref<1000x128xf32, #tpu.memory_space<vmem>>, vector<1000x128xf32>
    %slice3A_35 = vector.extract_strided_slice %get3A_34 {offsets = [0, 0], sizes = [1000, 1], strides = [1, 1]} : vector<1000x128xf32> to vector<1000x1xf32>
    %add3A_36 = arith.addf %slice3A_31, %slice3A_35 : vector<1000x1xf32>
    %mul3A_37 = arith.mulf %slice3A_27, %add3A_36 : vector<1000x1xf32>
    %mul3A_38 = vector.broadcast %mul3A_37 : vector<1000x1xf32> to vector<1000x256xf32>
    %mul3A_39 = arith.mulf %mul3A_38, %max3A_23 : vector<1000x256xf32>
    %reduce_sum3A = arith.constant dense<0.000000e+00> : vector<256xf32>
    %reduce_sum3A_40 = vector.multi_reduction <add>, %mul3A_39, %reduce_sum3A [0] : vector<1000x256xf32> to vector<256xf32>
    %broadcast_in_dim3A = vector.shape_cast %reduce_sum3A_40 : vector<256xf32> to vector<1x256xf32>
    %reduce_sum3A_41 = arith.constant dense<0.000000e+00> : vector<512xf32>
    %reduce_sum3A_42 = vector.multi_reduction <add>, %mul3A_13, %reduce_sum3A_41 [0] : vector<1000x512xf32> to vector<512xf32>
    %broadcast_in_dim3A_43 = vector.shape_cast %reduce_sum3A_42 : vector<512xf32> to vector<1x512xf32>
    %get3A_44 = arith.constant 0 : index
    %get3A_45 = arith.constant 0 : index
    %get3A_46 = vector.load %arg15[%get3A_44, %get3A_45] : memref<1x768xf32, #tpu.memory_space<vmem>>, vector<1x768xf32>
    %concatenate3A_47 = tpu.concatenate %broadcast_in_dim3A, %broadcast_in_dim3A_43 in 1 : vector<1x256xf32>, vector<1x512xf32> -> vector<1x768xf32>
    %add3A_48 = arith.addf %get3A_46, %concatenate3A_47 : vector<1x768xf32>
    %swap3A = arith.constant 0 : index
    %swap3A_49 = arith.constant 0 : index
    %swap3A_50 = vector.load %arg15[%swap3A, %swap3A_49] : memref<1x768xf32, #tpu.memory_space<vmem>>, vector<1x768xf32>
    tpu.vector_store %arg15[%swap3A, %swap3A_49], %add3A_48 {strides = array<i32>} : memref<1x768xf32, #tpu.memory_space<vmem>>, vector<1x768xf32>,
    %eq3A_51 = arith.constant 9 : i32
    %eq3A_52 = arith.cmpi eq, %arg0, %eq3A_51 : i32
    %convert_element_type3A_53 = arith.extui %eq3A_52 : i1 to i32
    %cond3A_54 = arith.constant 0 : i32
    %cond3A_55 = arith.cmpi ne, %convert_element_type3A_53, %cond3A_54 : i32
    scf.if %cond3A_55 {
      %get3A_56 = arith.constant 0 : index
      %get3A_57 = arith.constant 0 : index
      %get3A_58 = vector.load %arg15[%get3A_56, %get3A_57] : memref<1x768xf32, #tpu.memory_space<vmem>>, vector<1x768xf32>
      %get3A_59 = arith.constant 0 : index
      %get3A_60 = arith.constant 0 : index
      %get3A_61 = vector.load %arg10[%get3A_59, %get3A_60] : memref<768x256xf32, #tpu.memory_space<vmem>>, vector<768x256xf32>
      %dot_general3A_62 = arith.constant dense<0.000000e+00> : vector<1x256xf32>
      %dot_general3A_63 = tpu.matmul %get3A_58, %get3A_61, %dot_general3A_62 {dimension_numbers = #tpu.dot_dimension_numbers<[1], [0], [0], [1], [0, 0, 1, 1], [], []>, transpose_lhs_hint = false} : vector<1x768xf32>, vector<768x256xf32>, vector<1x256xf32> -> vector<1x256xf32>
      %get3A_64 = arith.constant 0 : index
      %get3A_65 = arith.constant 0 : index
      %get3A_66 = vector.load %arg11[%get3A_64, %get3A_65] : memref<1x256xf32, #tpu.memory_space<vmem>>, vector<1x256xf32>
      %add3A_67 = arith.addf %dot_general3A_63, %get3A_66 : vector<1x256xf32>
      %max3A_68 = arith.constant 0.000000e+00 : f32
      %max3A_69 = vector.broadcast %max3A_68 : f32 to vector<1x256xf32>
      %max3A_70 = arith.maximumf %add3A_67, %max3A_69 : vector<1x256xf32>
      %get3A_71 = arith.constant 0 : index
      %get3A_72 = arith.constant 0 : index
      %get3A_73 = vector.load %arg12[%get3A_71, %get3A_72] : memref<256x10xf32, #tpu.memory_space<vmem>>, vector<256x10xf32>
      %dot_general3A_74 = arith.constant dense<0.000000e+00> : vector<1x10xf32>
      %dot_general3A_75 = tpu.matmul %max3A_70, %get3A_73, %dot_general3A_74 {dimension_numbers = #tpu.dot_dimension_numbers<[1], [0], [0], [1], [0, 0, 1, 1], [], []>, transpose_lhs_hint = false} : vector<1x256xf32>, vector<256x10xf32>, vector<1x10xf32> -> vector<1x10xf32>
      %get3A_76 = arith.constant 0 : index
      %get3A_77 = arith.constant 0 : index
      %get3A_78 = vector.load %arg13[%get3A_76, %get3A_77] : memref<1x10xf32, #tpu.memory_space<vmem>>, vector<1x10xf32>
      %add3A_79 = arith.addf %dot_general3A_75, %get3A_78 : vector<1x10xf32>
      %reduce_max3A = arith.constant dense<0xFF800000> : vector<1xf32>
      %reduce_max3A_80 = vector.multi_reduction <maximumf>, %add3A_79, %reduce_max3A [1] : vector<1x10xf32> to vector<1xf32>
      %broadcast_in_dim3A_81 = vector.shape_cast %reduce_max3A_80 : vector<1xf32> to vector<1x1xf32>
      %sub3A = vector.broadcast %broadcast_in_dim3A_81 : vector<1x1xf32> to vector<1x10xf32>
      %sub3A_82 = arith.subf %add3A_79, %sub3A : vector<1x10xf32>
      %exp3A = math.exp %sub3A_82 : vector<1x10xf32>
      %reduce_sum3A_83 = arith.constant dense<0.000000e+00> : vector<1xf32>
      %reduce_sum3A_84 = vector.multi_reduction <add>, %exp3A, %reduce_sum3A_83 [1] : vector<1x10xf32> to vector<1xf32>
      %broadcast_in_dim3A_85 = vector.shape_cast %reduce_sum3A_84 : vector<1xf32> to vector<1x1xf32>
      %div3A = vector.broadcast %broadcast_in_dim3A_85 : vector<1x1xf32> to vector<1x10xf32>
      %div3A_86 = arith.divf %exp3A, %div3A : vector<1x10xf32>
      %swap3A_87 = arith.constant 0 : index
      %swap3A_88 = arith.constant 0 : index
      %swap3A_89 = vector.load %arg14[%swap3A_87, %swap3A_88] : memref<1x10xf32, #tpu.memory_space<vmem>>, vector<1x10xf32>
      tpu.vector_store %arg14[%swap3A_87, %swap3A_88], %div3A_86 {strides = array<i32>} : memref<1x10xf32, #tpu.memory_space<vmem>>, vector<1x10xf32>,
    } else {
    }
    return
  }
  func.func @transform_0(%arg0: i32) -> (i32, i32) {
    %c0_i32 = arith.constant 0 : i32
    %c0_i32_0 = arith.constant 0 : i32
    return %arg0, %c0_i32 : i32, i32
  }
  func.func @transform_1(%arg0: i32) -> (i32, i32) {
    %c0_i32 = arith.constant 0 : i32
    %c0_i32_0 = arith.constant 0 : i32
    return %arg0, %c0_i32 : i32, i32
  }
  func.func @transform_2(%arg0: i32) -> (i32, i32) {
    %c0_i32 = arith.constant 0 : i32
    %c0_i32_0 = arith.constant 0 : i32
    return %arg0, %c0_i32 : i32, i32
  }
  func.func @transform_3(%arg0: i32) -> (i32, i32) {
    %c0_i32 = arith.constant 0 : i32
    %c0_i32_0 = arith.constant 0 : i32
    return %arg0, %c0_i32 : i32, i32
  }
  func.func @transform_4(%arg0: i32) -> (i32, i32) {
    %c0_i32 = arith.constant 0 : i32
    %c0_i32_0 = arith.constant 0 : i32
    return %arg0, %c0_i32 : i32, i32
  }
  func.func @transform_5(%arg0: i32) -> (i32, i32) {
    %c0_i32 = arith.constant 0 : i32
    %c0_i32_0 = arith.constant 0 : i32
    return %arg0, %c0_i32 : i32, i32
  }
  func.func @transform_6(%arg0: i32) -> (i32, i32) {
    %c0_i32 = arith.constant 0 : i32
    %c0_i32_0 = arith.constant 0 : i32
    return %arg0, %c0_i32 : i32, i32
  }
  func.func @transform_7(%arg0: i32) -> (i32, i32) {
    %c0_i32 = arith.constant 0 : i32
    %c0_i32_0 = arith.constant 0 : i32
    %c0_i32_1 = arith.constant 0 : i32
    return %c0_i32, %c0_i32_0 : i32, i32
  }
  func.func @transform_8(%arg0: i32) -> (i32, i32) {
    %c0_i32 = arith.constant 0 : i32
    %c0_i32_0 = arith.constant 0 : i32
    %c0_i32_1 = arith.constant 0 : i32
    return %c0_i32, %c0_i32_0 : i32, i32
  }
  func.func @transform_9(%arg0: i32) -> (i32, i32) {
    %c0_i32 = arith.constant 0 : i32
    %c0_i32_0 = arith.constant 0 : i32
    %c0_i32_1 = arith.constant 0 : i32
    return %c0_i32, %c0_i32_0 : i32, i32
  }
  func.func @transform_10(%arg0: i32) -> (i32, i32) {
    %c0_i32 = arith.constant 0 : i32
    %c0_i32_0 = arith.constant 0 : i32
    %c0_i32_1 = arith.constant 0 : i32
    return %c0_i32, %c0_i32_0 : i32, i32
  }
  func.func @transform_11(%arg0: i32) -> (i32, i32) {
    %c0_i32 = arith.constant 0 : i32
    %c0_i32_0 = arith.constant 0 : i32
    %c0_i32_1 = arith.constant 0 : i32
    return %c0_i32, %c0_i32_0 : i32, i32
  }
  func.func @transform_12(%arg0: i32) -> (i32, i32) {
    %c0_i32 = arith.constant 0 : i32
    %c0_i32_0 = arith.constant 0 : i32
    %c0_i32_1 = arith.constant 0 : i32
    return %c0_i32, %c0_i32_0 : i32, i32
  }
  func.func @transform_13(%arg0: i32) -> (i32, i32) {
    %c0_i32 = arith.constant 0 : i32
    %c0_i32_0 = arith.constant 0 : i32
    %c0_i32_1 = arith.constant 0 : i32
    return %c0_i32, %c0_i32_0 : i32, i32
  }
}

</mosaic_0001>

<sc_bundles>
// kernel: kernel.11.cloned.1.call-start
scs
__scs_entry_jumppad:
0x0: {  	(pc) =	sbr.rel $0x88, $3  }
0x1: {  	(tag) =	ssettag $0x0;
	lr =	simm.s32 $0x1  }
0x2: {  	[smem:$0x3F86] =	sst lr;
	_ =	strace $0xD0000000  }
0x3: {  	_ = 	snop  }
0x4: {  	_ = 	snop  }
0x5: {  	_ = 	snop  }
0x6: {  	_ = 	snop  }
0x7: {  	_ = 	snop  }
__scs_overlays_trampoline_lowered:
0x8: {  	[smem:$0x3F95] =	sst s0  }
0x9: {  	[smem:$0x3F96] =	sst s1  }
0xa: {  	[smem:$0x3F97] =	sst s2  }
0xb: {  	[smem:$0x3F98] =	sst s3  }
0xc: {  	[smem:$0x3F99] =	sst s4  }
0xd: {  	[smem:$0x3F9A] =	sst s5  }
0xe: {  	[smem:$0x3F9B] =	sst s6  }
0xf: {  	[smem:$0x3F9C] =	sst s7  }
0x10: {  	[smem:$0x3F9D] =	sst s8  }
0x11: {  	[smem:$0x3F9E] =	sst s9;
	s0 =	simm.s32 @!p0 $0x0  }
0x12: {  	s1 =	sld [smem:$0x3F84];
	s0 =	simm.s32 @p0 $0x1  }
0x13: {  	[smem:$0x3F9F] =	sst s0;
	s0 =	simm.s32 @!p1 $0x0  }
0x14: {  	s2 =	sld [smem:$0x3F83];
	s0 =	simm.s32 @p1 $0x1  }
0x15: {  	[smem:$0x3FA0] =	sst s0;
	s0 =	simm.s32 @!p2 $0x0  }
0x16: {  	s3 =	sld [smem:$0x3FDB];
	s0 =	simm.s32 @p2 $0x1  }
0x17: {  	s4 =	simm.s32 $0x1BF5;
	[smem:$0x3FA2] =	sst s0  }
0x18: {  	s0 =	sld [smem:$0x3F85];
	_ =	swait.ge [sflag:s4], $0x0  }
0x19: {  	s7 =	sld [smem:$0x3F86]  }
0x1a: {  	s8 =	sadd.s32 $0xFFFFE003, lr  }
0x1b: {  	s9 =	sadd.s32 $0xFFFFFEF7, lr;
	s5 =	simm.s32 $0xFFFFFFFF;
	p2 =	slt.u32 s8, $0xFFFFF086  }
0x1c: {  	p1 =	slt.u32 s9, $0xF7A;
	s5 =	simm.s32 @!p2 $0x0  }
0x1d: {  	s5 =	simm.s32 @p1 $0x1;
	p0 =	seq.s32 s7, s2  }
0x1e: {  	s7 =	smul.u32 @!p0 $0xF7A, s2;
	p2 =	seq.s32 @!p0 s5, $0x0  }
0x1f: {  	s9 =	smul.u32 $0xF7A, s1;
	s8 =	simm.s32 @!p0 $0x1BF5;
	p2 =	por !p2, p0  }
0x20: {  	[sflag:s8] =	ssyncset.s32 @!p0 $0xFFFFF086;
	s6 =	sadd.s32 @!p0 s3, s7;
	s7 =	simm.s32 @!p0 $0x108  }
0x21: {  	s3 =	sadd.s32 s3, s9;
	s6 =	sadd.s32 @!p0 $0x88, s6;
	s7 =	simm.s32 @p2 $0x1082  }
0x22: {  	[simem:s7], [sflag:s8] =	dma.local @!p0 [hbm:s6], $0xF7A  }
0x23: {  	s9 =	sor.u32 $0xD0000000, s2;
	s6 =	simm.s32 $0x108;
	_ =	swait.ge @!p0 [sflag:s8], $0x0  }
0x24: {  	s3 =	sadd.s32 $0x88, s3;
	s6 =	simm.s32 @!p1 $0x1082;
	[sflag:s4] =	ssyncset.s32 $0xFFFFF086  }
0x25: {  	[simem:s6], [sflag:s4] =	dma.local [hbm:s3], $0xF7A  }
0x26: {  	[smem:$0x3F86] =	sst s1;
	(tag) =	ssettag s2;
	_ =	strace s9  }
0x27: {  	s1 =	sld [smem:$0x3F96]  }
0x28: {  	s2 =	sld [smem:$0x3F97]  }
0x29: {  	s4 =	sld [smem:$0x3F99]  }
0x2a: {  	p0 =	seq.s32 s5, $0x0;
	s5 =	sld [smem:$0x3F9A]  }
0x2b: {  	s6 =	sld [smem:$0x3F9B]  }
0x2c: {  	s7 =	sld [smem:$0x3F9C]  }
0x2d: {  	s3 =	simm.s32 $0x108;
	s8 =	sld [smem:$0x3F9D]  }
0x2e: {  	s3 =	simm.s32 @!p0 $0x1082;
	s9 =	sld [smem:$0x3F9E]  }
0x2f: {  	lr =	sadd.s32 s0, s3;
	s0 =	sld [smem:$0x3F95]  }
0x30: {  	s3 =	sld [smem:$0x3F98]  }
0x31: {  	[smem:$0x3FA1] =	sst s10  }
0x32: {  	s10 =	sld [smem:$0x3F9F];
	_ =	sdelay $0x3  }
0x33: {  	p0 =	seq.s32 s10, $0x1;
	s10 =	sld [smem:$0x3FA1];
	_ =	sdelay $0x3  }
0x34: {  	[smem:$0x3FA1] =	sst s10  }
0x35: {  	s10 =	sld [smem:$0x3FA0];
	_ =	sdelay $0x3  }
0x36: {  	p1 =	seq.s32 s10, $0x1;
	s10 =	sld [smem:$0x3FA1];
	_ =	sdelay $0x3  }
0x37: {  	[smem:$0x3FA1] =	sst s10  }
0x38: {  	s10 =	sld [smem:$0x3FA2]  }
0x39: {  	_ = 	snop;
	(pc) =	sbr.ind lr, $3  }
0x3a: {  	_ = 	snop  }
0x3b: {  	_ = 	snop  }
0x3c: {  	p2 =	seq.s32 s10, $0x1;
	s10 =	sld [smem:$0x3FA1]  }
0x3d: {  	_ =	shalt  }
0x3e: {  	_ =	shalt  }
0x3f: {  	_ =	shalt  }
0x40: {  	_ =	shalt  }
0x41: {  	_ =	shalt  }
0x42: {  	_ =	shalt  }
0x43: {  	_ =	shalt  }
0x44: {  	_ =	shalt  }
0x45: {  	_ =	shalt  }
0x46: {  	_ =	shalt  }
0x47: {  	_ =	shalt  }
0x48: {  	_ =	shalt  }
0x49: {  	_ =	shalt  }
0x4a: {  	_ =	shalt  }
0x4b: {  	_ =	shalt  }
0x4c: {  	_ =	shalt  }
0x4d: {  	_ =	shalt  }
0x4e: {  	_ =	shalt  }
0x4f: {  	_ =	shalt  }
0x50: {  	_ =	shalt  }
0x51: {  	_ =	shalt  }
0x52: {  	_ =	shalt  }
0x53: {  	_ =	shalt  }
0x54: {  	_ =	shalt  }
0x55: {  	_ =	shalt  }
0x56: {  	_ =	shalt  }
0x57: {  	_ =	shalt  }
0x58: {  	_ =	shalt  }
0x59: {  	_ =	shalt  }
0x5a: {  	_ =	shalt  }
0x5b: {  	_ =	shalt  }
0x5c: {  	_ =	shalt  }
0x5d: {  	_ =	shalt  }
0x5e: {  	_ =	shalt  }
0x5f: {  	_ =	shalt  }
0x60: {  	_ =	shalt  }
0x61: {  	_ =	shalt  }
0x62: {  	_ =	shalt  }
0x63: {  	_ =	shalt  }
0x64: {  	_ =	shalt  }
0x65: {  	_ =	shalt  }
0x66: {  	_ =	shalt  }
0x67: {  	_ =	shalt  }
0x68: {  	_ =	shalt  }
0x69: {  	_ =	shalt  }
0x6a: {  	_ =	shalt  }
0x6b: {  	_ =	shalt  }
0x6c: {  	_ =	shalt  }
0x6d: {  	_ =	shalt  }
0x6e: {  	_ =	shalt  }
0x6f: {  	_ =	shalt  }
0x70: {  	_ =	shalt  }
0x71: {  	_ =	shalt  }
0x72: {  	_ =	shalt  }
0x73: {  	_ =	shalt  }
0x74: {  	_ =	shalt  }
0x75: {  	_ =	shalt  }
0x76: {  	_ =	shalt  }
0x77: {  	_ =	shalt  }
0x78: {  	_ =	shalt  }
0x79: {  	_ =	shalt  }
0x7a: {  	_ =	shalt  }
0x7b: {  	_ =	shalt  }
0x7c: {  	_ =	shalt  }
0x7d: {  	_ =	shalt  }
0x7e: {  	_ =	shalt  }
0x7f: {  	_ =	shalt  }
0x80: {  	_ =	shalt  }
0x81: {  	_ =	shalt  }
0x82: {  	_ =	shalt  }
0x83: {  	_ =	shalt  }
0x84: {  	_ =	shalt  }
0x85: {  	_ =	shalt  }
0x86: {  	_ =	shalt  }
0x87: {  	_ =	shalt  }
.Lfunc_end0:
.L_simem_size_0:
called_computation.1_lowered:
.L_overlay_start_0:
0x88: {  	s2 =	sld [smem:$0x3FD9]  }
0x89: {  	s3 =	sld [smem:$0x3FFE];
	_ =	sdelay $0x1  }
0x8a: {  	s1 =	srdreg.scid  }
0x8b: {  	s0 =	sand.u32 $0x1, s1  }
0x8c: {  	s16 =	sshll.u32 s0, $0xA;
	s2 =	sadd.s32 s3, s2  }
0x8d: {  	s2 =	sadd.s32 s2, s16  }
0x8e: {  	[smem:$0x3FAD] =	sst s2  }
0x8f: {  	_ = 	snop  }
0x90: {  	(tm) =	ssettm $0x1  }
0x91: {  	s17 =	sld [smem:$0x3FFB];
	_ =	sdelay $0x3  }
0x92: {  	_ =	strace s17  }
0x93: {  	s2 =	sld [smem:$0x3FFC];
	_ =	sdelay $0x3  }
0x94: {  	_ =	strace s2  }
0x95: {  	s2 =	sld [smem:$0x3FFD];
	_ =	sdelay $0x3  }
0x96: {  	_ =	strace s2  }
0x97: {  	_ =	strace $0x8FFFFFFF  }
0x98: {  	s18 =	sld [smem:$0x3FDB];
	_ =	sdelay $0x1  }
0x99: {  	s19 =	simm.s32 $_scs_section_size  }
0x9a: {  	s4 =	simm.s32 $_size__tile_overlayer_lowered;
	s5 =	simm.s32 $_tile_overlayer_lowered  }
0x9b: {  	s22 =	simm.s32 $0x1BFF;
	s21 =	sshll.u32 s5, $0x1;
	s2 =	sadd.s32 s19, s18  }
0x9c: {  	s6 =	simm.s32 $0x0;
	s20 =	sshll.u32 s4, $0x1;
	s4 =	sadd.s32 s21, s2  }
0x9d: {  	[timem:s6], [sflag:s22] =	dma.local [hbm:s4], s20  }
0x9e: {  	_ =	swait.ge [sflag:s22], s20  }
0x9f: {  	s3 =	ssub.s32 $0x0, s20;
	[sflag:s22] =	ssyncset.done $0x0  }
0xa0: {  	[sflag:s22] =	ssyncadd.s32 s3;
	_ =	sdelay $0x1  }
0xa1: {  	s23 =	simm.s32 $0x1B8B  }
0xa2: {  	_ =	swait.ge [sflag:s23], $0x1  }
0xa3: {  	[sflag:s23] =	ssyncset.done $0x0  }
0xa4: {  	s25 =	simm.s32 $0x1B8E;
	s24 =	sld [smem:$0x3FFE];
	[sflag:s23] =	ssyncadd.s32 $0xFFFFFFFF  }
0xa5: {  	s26 =	simm.s32 $execute0_lowered;
	[smem:$0x3FD2] =	sst s25  }
0xa6: {  	s4 =	sshll.u32 s26, $0x1;
	_ =	strace $0x80000049;
	[dreg:$0x1] =	wrdreg $0xFFFFFFFF  }
0xa7: {  	s28 =	simm.s32 $_size_execute0_lowered;
	s2 =	sadd.s32 s2, s4;
	[dreg:$0x0] =	wrdreg $0x0  }
0xa8: {  	s4 =	sshll.u32 s28, $0x1;
	[dreg:$0x2] =	wrdreg s2  }
0xa9: {  	[dreg:$0x3] =	wrdreg s4  }
0xaa: {  	[dreg:$0x4] =	wrdreg $0xC0  }
0xab: {  	_ =	task [dreg:s6], $0x5FFFF  }
0xac: {  	[dreg:$0x1] =	wrdreg $0xFFFFFFFF  }
0xad: {  	[dreg:$0x0] =	wrdreg $0x60  }
0xae: {  	[dreg:$0x2] =	wrdreg s24  }
0xaf: {  	[dreg:$0x3] =	wrdreg $0x46000  }
0xb0: {  	[dreg:$0x4] =	wrdreg $0x9  }
0xb1: {  	_ =	task.clear_ibuf [dreg:s6], $0x5FFFF;
	_ =	strace $0x90000049  }
0xb2: {  	s29 =	simm.s32 $0x9;
	_ =	strace $0x8000004B  }
0xb3: {  	_ =	swait.ge [sflag:s29], $0x1  }
0xb4: {  	[sflag:s29] =	ssyncadd.s32 $0xFFFFFFFF  }
0xb5: {  	_ =	strace $0x9000004B  }
0xb6: {  	_ =	sfence  }
0xb7: {  	s30 =	sld [smem:$0x0];
	_ =	sdelay $0x2  }
0xb8: {  	s31 =	sshll.u32 s1, $0xD;
	s1 =	sshrl.u32 s1, $0x2  }
0xb9: {  	s3 =	sand.u32 $0x4000, s31;
	s1 =	sadd.s32 s1, s30  }
0xba: {  	s0 =	sor.u32 s3, s0;
	s1 =	sshll.u32 s1, $0x11  }
0xbb: {  	s0 =	sor.u32 s1, s0  }
0xbc: {  	s0 =	sadd.s32 $0x8F2B, s0  }
0xbd: {  	[sflag:s0] =	ssyncadd.remote.s32 $0x1  }
0xbe: {  	_ =	sfence.sel $0xFFFF  }
0xbf: {  	[dreg:$0x0] =	wrdreg $0xFFFFFFFF;
	(pc) =	sbr.abs _section_cstart, $3  }
0xc0: {  	[dreg:$0x1] =	wrdreg $0xFFFFFFFF  }
0xc1: {  	_ =	task.clear_ibuf [dreg:s6], $0x2FFFF;
	_ =	strace $0x9FFFFFFF  }
0xc2: {  	(tm) =	ssettm $0x7FFFFFFF  }
0xc3: {  	_ =	shalt  }
tec
execute0_lowered:
.L_overlay_start_1:
0x0: {  	(tag) =	ssettag $0x1  }
0x1: {  	s8 =	rddreg [dreg:$0x0]  }
0x2: {  	s1 =	rddreg [dreg:$0x1]  }
0x3: {  	s0 =	rddreg [dreg:$0x2];
	s3 =	simm.s32 $0x0;
	s4 =	srdreg.scid  }
0x4: {  	s2 =	stileid.u32;
	s17 =	simm.s32 $0x1;
	s18 =	simm.s32 $0x4180  }
0x5: {  	s19 =	simm.s32 $0x8;
	s20 =	simm.s32 $0x4200;
	s21 =	simm.s32 $0x4100  }
0x6: {  	s22 =	simm.s32 $0x0;
	[smem:$0x7FF] =	sst s3;
	s11 =	sadd.s32 $0x9800, s8  }
0x7: {  	s6 =	sand.u32 $0x1, s4;
	s7 =	smul.u32 $0x50000, s2;
	s12 =	sadd.s32 $0x4800, s8  }
0x8: {  	s4 =	sadd.s32 $0xAD600, s8;
	s14 =	smul.u32 $0x1388, s2;
	s5 =	sadd.s32 $0xAAE00, s8  }
0x9: {  	s31 =	sshll.u32 s2, $0x6;
	s16 =	smul.u32 $0x2800, s2;
	_ =	strace $0x8000004A  }
0xa: {  	s9 =	ssub.s32 $0x2, s6;
	s10 =	smul.u32 $0x13880, s6;
	p0 =	seq.s32 s6, $0x1  }
0xb: {  	s6 =	sor.u32 $0x1C02, s31;
	s13 =	sshrl.u32 s9, $0x1;
	s7 =	sshrl.u32 s7, $0x2  }
0xc: {  	s9 =	ssub.s32 s9, s13;
	s30 =	sadd.s32 s7, s1;
	s10 =	sadd.s32 s14, s10  }
0xd: {  	s14 =	sshrl.u32 s10, $0x3;
	s10 =	simm.s32 $0xFD600;
	s9 =	smax.u32 s9, $0x1  }
0xe: {  	s13 =	sshrl.u32 s30, $0x3;
	s15 =	sadd.s32 $0x270, s14;
	s10 =	simm.s32 @!p0 $0xE800  }
0xf: {  	s7 =	sadd.s32 s12, s15;
	s10 =	sadd.s32 s10, s8;
	s8 =	sadd.s32 s11, s15  }
0x10: {  	s11 =	sadd.s32 s14, s11;
	s12 =	sadd.s32 s14, s12;
	s14 =	simm.s32 $0x2  }
0x11: {  	s15 =	simm.s32 $0x80;
	s10 =	sadd.s32 s10, s16;
	s16 =	simm.s32 $0x100  }
.LBB2_1:
0x12: {  	[spmem:s13], [sflag:s6] =	dma.local [hbm:s5], $0x2800  }
0x13: {  	_ =	swait.ge [sflag:s14], $0x2800  }
0x14: {  	[sflag:s14] =	ssyncset.done $0x0  }
0x15: {  	[sflag:s14] =	ssyncadd.s32 $0xFFFFD800  }
0x16: {  	s23 =	sadd.s32 $0x0, s12;
	[bflag:$0x0] =	sbarrier.arrive $0xFFFF  }
0x17: {  	[tilespmem:s15], [sflag:$0x2] =	stream.linear.gather [hbm4b:s23+s3], $0x80, $0x38;
	[tilespmem:$0x18600] =	vst v63  }
0x18: {  	_ =	swait.ge [sflag:s14], $0x80  }
0x19: {  	[sflag:s14] =	ssyncset.done $0x0  }
0x1a: {  	[sflag:s14] =	ssyncadd.s32 $0xFFFFFF80  }
0x1b: {  	[tilespmem:s16], [sflag:$0x1] =	stream.indirect.gather [hbm4b:s4+s15], $0x80, s15, s15, $0xb8;
	[tilespmem:$0x18600] =	vst v63  }
0x1c: {  	_ =	swait.ge [sflag:s17], $0x4000  }
0x1d: {  	[sflag:s17] =	ssyncset.done $0x0  }
0x1e: {  	s31 =	sadd.s32 $0x0, s11;
	[sflag:s17] =	ssyncadd.s32 $0xFFFFC000  }
0x1f: {  	[tilespmem:s3], [sflag:$0x2] =	stream.linear.gather [hbm4b:s31+s3], $0x80, $0x38;
	[tilespmem:$0x18600] =	vst v63  }
0x20: {  	_ =	swait.ge [sflag:s14], $0x80  }
0x21: {  	[sflag:s14] =	ssyncset.done $0x0  }
0x22: {  	[sflag:s14] =	ssyncadd.s32 $0xFFFFFF80  }
0x23: {  	[spmem:s1] =	stream.indirect.scatter.add.f32 [tilespmem:s16], [sflag:$0x2], $0x80, s3, s15, $0xb8;
	[tilespmem:$0x18600] =	vst v63  }
0x24: {  	_ =	swait.ge [sflag:s14], $0x4000  }
0x25: {  	s24 =	simm.s32 $0x20;
	s23 =	simm.s32 $0x10;
	[sflag:s14] =	ssyncset.done $0x0  }
.LBB2_2:
0x26: {  	s25 =	sadd.s32 s23, s12  }
0x27: {  	[sflag:s14] =	ssyncadd.s32 $0xFFFFC000;
	s26 =	smov.u32 s24;
	s28 =	sadd.s32 $0x10, s24  }
0x28: {  	[tilespmem:s15], [sflag:$0x2] =	stream.linear.gather [hbm4b:s25+s3], $0x80, $0x38;
	[tilespmem:$0x18600] =	vst v63  }
0x29: {  	p0 =	sne.s32 s24, $0x260;
	_ =	swait.ge [sflag:s14], $0x80  }
0x2a: {  	[sflag:s14] =	ssyncset.done $0x0  }
0x2b: {  	[sflag:s14] =	ssyncadd.s32 $0xFFFFFF80  }
0x2c: {  	[tilespmem:s16], [sflag:$0x1] =	stream.indirect.gather [hbm4b:s4+s15], $0x80, s15, s15, $0xb8;
	[tilespmem:$0x18600] =	vst v63  }
0x2d: {  	_ =	swait.ge [sflag:s17], $0x4000  }
0x2e: {  	[sflag:s17] =	ssyncset.done $0x0  }
0x2f: {  	s24 =	sadd.s32 s23, s11;
	s23 =	smov.u32 s26;
	[sflag:s17] =	ssyncadd.s32 $0xFFFFC000  }
0x30: {  	[tilespmem:s3], [sflag:$0x2] =	stream.linear.gather [hbm4b:s24+s3], $0x80, $0x38;
	[tilespmem:$0x18600] =	vst v63  }
0x31: {  	_ =	swait.ge [sflag:s14], $0x80  }
.Ltmp0:
0x32: {  	[sflag:s14] =	ssyncset.done $0x0;
	(pc) =	sbr.rel @p0 .LBB2_2-.Ltmp0, $4  }
0x33: {  	[sflag:s14] =	ssyncadd.s32 $0xFFFFFF80  }
0x34: {  	[spmem:s1] =	stream.indirect.scatter.add.f32 [tilespmem:s16], [sflag:$0x2], $0x80, s3, s15, $0xb8;
	[tilespmem:$0x18600] =	vst v63  }
0x35: {  	_ =	swait.ge [sflag:s14], $0x4000  }
0x36: {  	s24 =	smov.u32 s28;
	[sflag:s14] =	ssyncset.done $0x0  }
0x37: {  	s24 =	sadd.s32 s23, s12;
	[sflag:s14] =	ssyncadd.s32 $0xFFFFC000  }
0x38: {  	[tilespmem:s15], [sflag:$0x2] =	stream.linear.gather [hbm4b:s24+s3], $0x80, $0x38;
	[tilespmem:$0x18600] =	vst v63  }
0x39: {  	_ =	swait.ge [sflag:s14], $0x80  }
0x3a: {  	[sflag:s14] =	ssyncset.done $0x0  }
0x3b: {  	[sflag:s14] =	ssyncadd.s32 $0xFFFFFF80  }
0x3c: {  	[tilespmem:s16], [sflag:$0x1] =	stream.indirect.gather [hbm4b:s4+s15], $0x80, s15, s15, $0xb8;
	[tilespmem:$0x18600] =	vst v63  }
0x3d: {  	_ =	swait.ge [sflag:s17], $0x4000  }
0x3e: {  	[sflag:s17] =	ssyncset.done $0x0  }
0x3f: {  	s31 =	sadd.s32 s23, s11;
	[sflag:s17] =	ssyncadd.s32 $0xFFFFC000  }
0x40: {  	[tilespmem:s3], [sflag:$0x2] =	stream.linear.gather [hbm4b:s31+s3], $0x80, $0x38;
	[tilespmem:$0x18600] =	vst v63  }
0x41: {  	_ =	swait.ge [sflag:s14], $0x80  }
0x42: {  	[sflag:s14] =	ssyncset.done $0x0  }
0x43: {  	[sflag:s14] =	ssyncadd.s32 $0xFFFFFF80  }
0x44: {  	[spmem:s1] =	stream.indirect.scatter.add.f32 [tilespmem:s16], [sflag:$0x2], $0x80, s3, s15, $0xb8;
	[tilespmem:$0x18600] =	vst v63  }
0x45: {  	_ =	swait.ge [sflag:s14], $0x4000  }
0x46: {  	[sflag:s14] =	ssyncset.done $0x0  }
0x47: {  	[sflag:s14] =	ssyncadd.s32 $0xFFFFC000  }
0x48: {  	[tilespmem:s18], [sflag:$0x2] =	stream.linear.gather [hbm4b:s7+s3], $0x8, $0x38;
	[tilespmem:$0x18600] =	vst v63  }
0x49: {  	_ =	swait.ge [sflag:s14], $0x8  }
0x4a: {  	[sflag:s14] =	ssyncset.done $0x0  }
0x4b: {  	[sflag:s14] =	ssyncadd.s32 $0xFFFFFFF8  }
0x4c: {  	[tilespmem:s20], [sflag:$0x1] =	stream.indirect.gather [hbm4b:s4+s19], $0x80, s18, s19, $0xb8;
	[tilespmem:$0x18600] =	vst v63  }
0x4d: {  	_ =	swait.ge [sflag:s17], $0x400  }
0x4e: {  	[sflag:s17] =	ssyncset.done $0x0  }
0x4f: {  	[sflag:s17] =	ssyncadd.s32 $0xFFFFFC00  }
0x50: {  	[tilespmem:s21], [sflag:$0x2] =	stream.linear.gather [hbm4b:s8+s3], $0x8, $0x38;
	[tilespmem:$0x18600] =	vst v63  }
0x51: {  	_ =	swait.ge [sflag:s14], $0x8  }
0x52: {  	[sflag:s14] =	ssyncset.done $0x0  }
0x53: {  	[sflag:s14] =	ssyncadd.s32 $0xFFFFFFF8  }
0x54: {  	[spmem:s1] =	stream.indirect.scatter.add.f32 [tilespmem:s20], [sflag:$0x2], $0x80, s21, s19, $0xb8;
	[tilespmem:$0x18600] =	vst v63  }
0x55: {  	_ =	swait.ge [sflag:s14], $0x400  }
0x56: {  	s22 =	sadd.s32 $0x1, s22;
	[sflag:s14] =	ssyncset.done $0x0  }
0x57: {  	p0 =	sne.s32 s22, s9;
	[sflag:s14] =	ssyncadd.s32 $0xFFFFFC00  }
.Ltmp1:
0x58: {  	[bflag:$0x0] =	sbarrier.arrive $0xFFFF;
	(pc) =	sbr.rel @p0 .LBB2_1-.Ltmp1, $4  }
0x59: {  	[hbm:s10], [sflag:s6] =	dma.local [spmem:s13], $0x2800  }
0x5a: {  	_ =	swait.ge [sflag:s14], $0x2800  }
0x5b: {  	[sflag:s14] =	ssyncset.done $0x0  }
0x5c: {  	[sflag:s14] =	ssyncadd.s32 $0xFFFFD800  }
0x5d: {  	_ =	sfence.sel $0x180000  }
0x5e: {  	[bflag:$0x0] =	sbarrier.arrive $0xFFFF  }
0x5f: {  	p0 =	sne.s32 s2, $0x0;
	_ =	strace $0x9000004A  }
0x60: {  	s0 =	sadd.s32 @!p0 $0x100000, s0;
	[bflag:$0x2] =	sbarrier.arrive $0xFFFF  }
0x61: {  	[sflag:s0] =	ssyncadd.tile.s32 @!p0 $0x1;
	_ =	shalt  }
.Lfunc_end2:
_tile_overlayer_lowered:
.L_overlay_start_2:
0x62: {  	(tag) =	ssettag $0x2  }
0x63: {  	s0 =	rddreg [dreg:$0x0];
	s2 =	stileid.u32  }
0x64: {  	s1 =	rddreg [dreg:$0x1];
	p0 =	sne.s32 s2, $0x0  }
0x65: {  	s3 =	rddreg [dreg:$0x2];
	[bflag:$0x3] =	sbarrier.arrive $0xFFFF;
	s2 =	simm.s32 @!p0 $0x1C02  }
0x66: {  	[timem:s3], [sflag:s2] =	dma.local @!p0 [hbm:s0], s1  }
0x67: {  	s0 =	simm.s32 @!p0 $0x2  }
0x68: {  	_ =	swait.ge @!p0 [sflag:s0], s1  }
0x69: {  	s1 =	ssub.s32 @!p0 $0x0, s1;
	[sflag:s0] =	ssyncset.done @!p0 $0x0  }
0x6a: {  	[sflag:s0] =	ssyncadd.s32 @!p0 s1  }
0x6b: {  	[bflag:$0x3] =	sbarrier.arrive $0xFFFF  }
0x6c: {  	_ =	shalt  }

// kernel: kernel.8.cloned.1.call-start
scs
__scs_entry_jumppad:
0x0: {  	(pc) =	sbr.rel $0x88, $3  }
0x1: {  	(tag) =	ssettag $0x0;
	lr =	simm.s32 $0x1  }
0x2: {  	[smem:$0x3F86] =	sst lr;
	_ =	strace $0xD0000000  }
0x3: {  	_ = 	snop  }
0x4: {  	_ = 	snop  }
0x5: {  	_ = 	snop  }
0x6: {  	_ = 	snop  }
0x7: {  	_ = 	snop  }
__scs_overlays_trampoline_lowered:
0x8: {  	[smem:$0x3F95] =	sst s0  }
0x9: {  	[smem:$0x3F96] =	sst s1  }
0xa: {  	[smem:$0x3F97] =	sst s2  }
0xb: {  	[smem:$0x3F98] =	sst s3  }
0xc: {  	[smem:$0x3F99] =	sst s4  }
0xd: {  	[smem:$0x3F9A] =	sst s5  }
0xe: {  	[smem:$0x3F9B] =	sst s6  }
0xf: {  	[smem:$0x3F9C] =	sst s7  }
0x10: {  	[smem:$0x3F9D] =	sst s8  }
0x11: {  	[smem:$0x3F9E] =	sst s9;
	s0 =	simm.s32 @!p0 $0x0  }
0x12: {  	s1 =	sld [smem:$0x3F84];
	s0 =	simm.s32 @p0 $0x1  }
0x13: {  	[smem:$0x3F9F] =	sst s0;
	s0 =	simm.s32 @!p1 $0x0  }
0x14: {  	s2 =	sld [smem:$0x3F83];
	s0 =	simm.s32 @p1 $0x1  }
0x15: {  	[smem:$0x3FA0] =	sst s0;
	s0 =	simm.s32 @!p2 $0x0  }
0x16: {  	s3 =	sld [smem:$0x3FDB];
	s0 =	simm.s32 @p2 $0x1  }
0x17: {  	s4 =	simm.s32 $0x1BF5;
	[smem:$0x3FA2] =	sst s0  }
0x18: {  	s0 =	sld [smem:$0x3F85];
	_ =	swait.ge [sflag:s4], $0x0  }
0x19: {  	s7 =	sld [smem:$0x3F86]  }
0x1a: {  	s8 =	sadd.s32 $0xFFFFE003, lr  }
0x1b: {  	s9 =	sadd.s32 $0xFFFFFEF7, lr;
	s5 =	simm.s32 $0xFFFFFFFF;
	p2 =	slt.u32 s8, $0xFFFFF086  }
0x1c: {  	p1 =	slt.u32 s9, $0xF7A;
	s5 =	simm.s32 @!p2 $0x0  }
0x1d: {  	s5 =	simm.s32 @p1 $0x1;
	p0 =	seq.s32 s7, s2  }
0x1e: {  	s7 =	smul.u32 @!p0 $0xF7A, s2;
	p2 =	seq.s32 @!p0 s5, $0x0  }
0x1f: {  	s9 =	smul.u32 $0xF7A, s1;
	s8 =	simm.s32 @!p0 $0x1BF5;
	p2 =	por !p2, p0  }
0x20: {  	[sflag:s8] =	ssyncset.s32 @!p0 $0xFFFFF086;
	s6 =	sadd.s32 @!p0 s3, s7;
	s7 =	simm.s32 @!p0 $0x108  }
0x21: {  	s3 =	sadd.s32 s3, s9;
	s6 =	sadd.s32 @!p0 $0x88, s6;
	s7 =	simm.s32 @p2 $0x1082  }
0x22: {  	[simem:s7], [sflag:s8] =	dma.local @!p0 [hbm:s6], $0xF7A  }
0x23: {  	s9 =	sor.u32 $0xD0000000, s2;
	s6 =	simm.s32 $0x108;
	_ =	swait.ge @!p0 [sflag:s8], $0x0  }
0x24: {  	s3 =	sadd.s32 $0x88, s3;
	s6 =	simm.s32 @!p1 $0x1082;
	[sflag:s4] =	ssyncset.s32 $0xFFFFF086  }
0x25: {  	[simem:s6], [sflag:s4] =	dma.local [hbm:s3], $0xF7A  }
0x26: {  	[smem:$0x3F86] =	sst s1;
	(tag) =	ssettag s2;
	_ =	strace s9  }
0x27: {  	s1 =	sld [smem:$0x3F96]  }
0x28: {  	s2 =	sld [smem:$0x3F97]  }
0x29: {  	s4 =	sld [smem:$0x3F99]  }
0x2a: {  	p0 =	seq.s32 s5, $0x0;
	s5 =	sld [smem:$0x3F9A]  }
0x2b: {  	s6 =	sld [smem:$0x3F9B]  }
0x2c: {  	s7 =	sld [smem:$0x3F9C]  }
0x2d: {  	s3 =	simm.s32 $0x108;
	s8 =	sld [smem:$0x3F9D]  }
0x2e: {  	s3 =	simm.s32 @!p0 $0x1082;
	s9 =	sld [smem:$0x3F9E]  }
0x2f: {  	lr =	sadd.s32 s0, s3;
	s0 =	sld [smem:$0x3F95]  }
0x30: {  	s3 =	sld [smem:$0x3F98]  }
0x31: {  	[smem:$0x3FA1] =	sst s10  }
0x32: {  	s10 =	sld [smem:$0x3F9F];
	_ =	sdelay $0x3  }
0x33: {  	p0 =	seq.s32 s10, $0x1;
	s10 =	sld [smem:$0x3FA1];
	_ =	sdelay $0x3  }
0x34: {  	[smem:$0x3FA1] =	sst s10  }
0x35: {  	s10 =	sld [smem:$0x3FA0];
	_ =	sdelay $0x3  }
0x36: {  	p1 =	seq.s32 s10, $0x1;
	s10 =	sld [smem:$0x3FA1];
	_ =	sdelay $0x3  }
0x37: {  	[smem:$0x3FA1] =	sst s10  }
0x38: {  	s10 =	sld [smem:$0x3FA2]  }
0x39: {  	_ = 	snop;
	(pc) =	sbr.ind lr, $3  }
0x3a: {  	_ = 	snop  }
0x3b: {  	_ = 	snop  }
0x3c: {  	p2 =	seq.s32 s10, $0x1;
	s10 =	sld [smem:$0x3FA1]  }
0x3d: {  	_ =	shalt  }
0x3e: {  	_ =	shalt  }
0x3f: {  	_ =	shalt  }
0x40: {  	_ =	shalt  }
0x41: {  	_ =	shalt  }
0x42: {  	_ =	shalt  }
0x43: {  	_ =	shalt  }
0x44: {  	_ =	shalt  }
0x45: {  	_ =	shalt  }
0x46: {  	_ =	shalt  }
0x47: {  	_ =	shalt  }
0x48: {  	_ =	shalt  }
0x49: {  	_ =	shalt  }
0x4a: {  	_ =	shalt  }
0x4b: {  	_ =	shalt  }
0x4c: {  	_ =	shalt  }
0x4d: {  	_ =	shalt  }
0x4e: {  	_ =	shalt  }
0x4f: {  	_ =	shalt  }
0x50: {  	_ =	shalt  }
0x51: {  	_ =	shalt  }
0x52: {  	_ =	shalt  }
0x53: {  	_ =	shalt  }
0x54: {  	_ =	shalt  }
0x55: {  	_ =	shalt  }
0x56: {  	_ =	shalt  }
0x57: {  	_ =	shalt  }
0x58: {  	_ =	shalt  }
0x59: {  	_ =	shalt  }
0x5a: {  	_ =	shalt  }
0x5b: {  	_ =	shalt  }
0x5c: {  	_ =	shalt  }
0x5d: {  	_ =	shalt  }
0x5e: {  	_ =	shalt  }
0x5f: {  	_ =	shalt  }
0x60: {  	_ =	shalt  }
0x61: {  	_ =	shalt  }
0x62: {  	_ =	shalt  }
0x63: {  	_ =	shalt  }
0x64: {  	_ =	shalt  }
0x65: {  	_ =	shalt  }
0x66: {  	_ =	shalt  }
0x67: {  	_ =	shalt  }
0x68: {  	_ =	shalt  }
0x69: {  	_ =	shalt  }
0x6a: {  	_ =	shalt  }
0x6b: {  	_ =	shalt  }
0x6c: {  	_ =	shalt  }
0x6d: {  	_ =	shalt  }
0x6e: {  	_ =	shalt  }
0x6f: {  	_ =	shalt  }
0x70: {  	_ =	shalt  }
0x71: {  	_ =	shalt  }
0x72: {  	_ =	shalt  }
0x73: {  	_ =	shalt  }
0x74: {  	_ =	shalt  }
0x75: {  	_ =	shalt  }
0x76: {  	_ =	shalt  }
0x77: {  	_ =	shalt  }
0x78: {  	_ =	shalt  }
0x79: {  	_ =	shalt  }
0x7a: {  	_ =	shalt  }
0x7b: {  	_ =	shalt  }
0x7c: {  	_ =	shalt  }
0x7d: {  	_ =	shalt  }
0x7e: {  	_ =	shalt  }
0x7f: {  	_ =	shalt  }
0x80: {  	_ =	shalt  }
0x81: {  	_ =	shalt  }
0x82: {  	_ =	shalt  }
0x83: {  	_ =	shalt  }
0x84: {  	_ =	shalt  }
0x85: {  	_ =	shalt  }
0x86: {  	_ =	shalt  }
0x87: {  	_ =	shalt  }
.Lfunc_end0:
.L_simem_size_0:
called_computation_lowered:
.L_overlay_start_0:
0x88: {  	s2 =	sld [smem:$0x3FD9]  }
0x89: {  	s3 =	sld [smem:$0x3FFE];
	_ =	sdelay $0x1  }
0x8a: {  	s1 =	srdreg.scid  }
0x8b: {  	s0 =	sand.u32 $0x1, s1  }
0x8c: {  	s16 =	sshll.u32 s0, $0xA;
	s2 =	sadd.s32 s3, s2  }
0x8d: {  	s2 =	sadd.s32 s2, s16  }
0x8e: {  	[smem:$0x3FAD] =	sst s2  }
0x8f: {  	_ = 	snop  }
0x90: {  	(tm) =	ssettm $0x1  }
0x91: {  	s17 =	sld [smem:$0x3FFB];
	_ =	sdelay $0x3  }
0x92: {  	_ =	strace s17  }
0x93: {  	s2 =	sld [smem:$0x3FFC];
	_ =	sdelay $0x3  }
0x94: {  	_ =	strace s2  }
0x95: {  	s2 =	sld [smem:$0x3FFD];
	_ =	sdelay $0x3  }
0x96: {  	_ =	strace s2  }
0x97: {  	_ =	strace $0x8FFFFFFF  }
0x98: {  	s18 =	sld [smem:$0x3FDB];
	_ =	sdelay $0x1  }
0x99: {  	s19 =	simm.s32 $_scs_section_size  }
0x9a: {  	s4 =	simm.s32 $_size__tile_overlayer_lowered;
	s5 =	simm.s32 $_tile_overlayer_lowered  }
0x9b: {  	s22 =	simm.s32 $0x1BFF;
	s21 =	sshll.u32 s5, $0x1;
	s2 =	sadd.s32 s19, s18  }
0x9c: {  	s6 =	simm.s32 $0x0;
	s20 =	sshll.u32 s4, $0x1;
	s4 =	sadd.s32 s21, s2  }
0x9d: {  	[timem:s6], [sflag:s22] =	dma.local [hbm:s4], s20  }
0x9e: {  	_ =	swait.ge [sflag:s22], s20  }
0x9f: {  	s3 =	ssub.s32 $0x0, s20;
	[sflag:s22] =	ssyncset.done $0x0  }
0xa0: {  	[sflag:s22] =	ssyncadd.s32 s3;
	_ =	sdelay $0x1  }
0xa1: {  	s23 =	simm.s32 $0x1B8B  }
0xa2: {  	_ =	swait.ge [sflag:s23], $0x1  }
0xa3: {  	[sflag:s23] =	ssyncset.done $0x0  }
0xa4: {  	s25 =	simm.s32 $0x1B8E;
	s24 =	sld [smem:$0x3FFE];
	[sflag:s23] =	ssyncadd.s32 $0xFFFFFFFF  }
0xa5: {  	s26 =	simm.s32 $execute0_lowered;
	[smem:$0x3FD2] =	sst s25  }
0xa6: {  	s4 =	sshll.u32 s26, $0x1;
	_ =	strace $0x80000046;
	[dreg:$0x1] =	wrdreg $0xFFFFFFFF  }
0xa7: {  	s28 =	simm.s32 $_size_execute0_lowered;
	s2 =	sadd.s32 s2, s4;
	[dreg:$0x0] =	wrdreg $0x0  }
0xa8: {  	s4 =	sshll.u32 s28, $0x1;
	[dreg:$0x2] =	wrdreg s2  }
0xa9: {  	[dreg:$0x3] =	wrdreg s4  }
0xaa: {  	[dreg:$0x4] =	wrdreg $0xC0  }
0xab: {  	_ =	task [dreg:s6], $0x5FFFF  }
0xac: {  	[dreg:$0x1] =	wrdreg $0xFFFFFFFF  }
0xad: {  	[dreg:$0x0] =	wrdreg $0x60  }
0xae: {  	[dreg:$0x2] =	wrdreg s24  }
0xaf: {  	[dreg:$0x3] =	wrdreg $0x4A000  }
0xb0: {  	[dreg:$0x4] =	wrdreg $0x9  }
0xb1: {  	_ =	task.clear_ibuf [dreg:s6], $0x5FFFF;
	_ =	strace $0x90000046  }
0xb2: {  	s29 =	simm.s32 $0x9;
	_ =	strace $0x80000048  }
0xb3: {  	_ =	swait.ge [sflag:s29], $0x1  }
0xb4: {  	[sflag:s29] =	ssyncadd.s32 $0xFFFFFFFF  }
0xb5: {  	_ =	strace $0x90000048  }
0xb6: {  	_ =	sfence  }
0xb7: {  	s30 =	sld [smem:$0x0];
	_ =	sdelay $0x2  }
0xb8: {  	s31 =	sshll.u32 s1, $0xD;
	s1 =	sshrl.u32 s1, $0x2  }
0xb9: {  	s3 =	sand.u32 $0x4000, s31;
	s1 =	sadd.s32 s1, s30  }
0xba: {  	s0 =	sor.u32 s3, s0;
	s1 =	sshll.u32 s1, $0x11  }
0xbb: {  	s0 =	sor.u32 s1, s0  }
0xbc: {  	s0 =	sadd.s32 $0x8F2B, s0  }
0xbd: {  	[sflag:s0] =	ssyncadd.remote.s32 $0x1  }
0xbe: {  	_ =	sfence.sel $0xFFFF  }
0xbf: {  	[dreg:$0x0] =	wrdreg $0xFFFFFFFF;
	(pc) =	sbr.abs _section_cstart, $3  }
0xc0: {  	[dreg:$0x1] =	wrdreg $0xFFFFFFFF  }
0xc1: {  	_ =	task.clear_ibuf [dreg:s6], $0x2FFFF;
	_ =	strace $0x9FFFFFFF  }
0xc2: {  	(tm) =	ssettm $0x7FFFFFFF  }
0xc3: {  	_ =	shalt  }
tec
execute0_lowered:
.L_overlay_start_1:
0x0: {  	(tag) =	ssettag $0x1  }
0x1: {  	s8 =	rddreg [dreg:$0x0]  }
0x2: {  	s1 =	rddreg [dreg:$0x1]  }
0x3: {  	s0 =	rddreg [dreg:$0x2];
	s2 =	simm.s32 $0x0  }
0x4: {  	s7 =	srdreg.scid;
	s3 =	stileid.u32;
	s19 =	simm.s32 $0x100  }
0x5: {  	s20 =	simm.s32 $0x1;
	s21 =	simm.s32 $0x4100;
	s22 =	simm.s32 $0x10  }
0x6: {  	s23 =	simm.s32 $0x4200;
	s24 =	simm.s32 $0x4180;
	s25 =	simm.s32 $0x0  }
0x7: {  	[smem:$0x7FF] =	sst s2;
	s15 =	sadd.s32 $0x9800, s8;
	s14 =	sadd.s32 $0x4800, s8  }
0x8: {  	s4 =	sadd.s32 $0xE800, s8;
	s5 =	sadd.s32 $0x35A00, s8;
	s6 =	sadd.s32 $0xAAE00, s8  }
0x9: {  	s9 =	sand.u32 $0x1, s7;
	s10 =	smul.u32 $0x2710, s3;
	s7 =	sadd.s32 $0xD5600, s8  }
0xa: {  	s12 =	smul.u32 $0x50000, s3;
	s8 =	sadd.s32 $0xAD600, s8;
	s17 =	sshll.u32 s3, $0x6  }
0xb: {  	s18 =	smul.u32 $0x4E2, s3;
	_ =	strace $0x80000047;
	s11 =	ssub.s32 $0x2, s9  }
0xc: {  	p0 =	seq.s32 s9, $0x1;
	s13 =	sshrl.u32 s11, $0x1;
	s10 =	sshrl.u32 s10, $0x3  }
.Ltmp0:
0xd: {  	s31 =	sshrl.u32 s12, $0x2;
	s13 =	ssub.s32 s11, s13;
	(pc) =	sbr.rel .LBB2_1-.Ltmp0, $4  }
0xe: {  	s10 =	sadd.s32 $0x4E0, s10;
	s16 =	sadd.s32 s31, s1;
	s11 =	smul.u32 $0x2800, s3  }
0xf: {  	s9 =	sadd.s32 s15, s10;
	s10 =	sadd.s32 s14, s10;
	s12 =	smax.u32 s13, $0x1  }
0x10: {  	s13 =	sor.u32 $0x1C02, s17;
	s14 =	sadd.s32 s18, s14;
	s15 =	sadd.s32 s18, s15  }
0x11: {  	s16 =	sshrl.u32 s16, $0x3;
	s17 =	simm.s32 $0x2;
	s18 =	simm.s32 $0x80  }
.LBB2_7:
0x12: {  	s28 =	sadd.s32 s26, s15;
	[sflag:s17] =	ssyncadd.s32 $0xFFFFC000  }
0x13: {  	[tilespmem:s2], [sflag:$0x2] =	stream.linear.gather [hbm4b:s28+s2], $0x80, $0x38;
	[tilespmem:$0x18A00] =	vst v63  }
0x14: {  	_ =	swait.ge [sflag:s17], $0x80  }
0x15: {  	[sflag:s17] =	ssyncset.done $0x0  }
0x16: {  	[sflag:s17] =	ssyncadd.s32 $0xFFFFFF80  }
0x17: {  	[tilespmem:s19], [sflag:$0x1] =	stream.indirect.gather [hbm4b:s5+s18], $0x80, s2, s18, $0xb8;
	[tilespmem:$0x18A00] =	vst v63  }
0x18: {  	_ =	swait.ge [sflag:s20], $0x4000  }
0x19: {  	[sflag:s20] =	ssyncset.done $0x0  }
0x1a: {  	s31 =	sadd.s32 s26, s14;
	[sflag:s20] =	ssyncadd.s32 $0xFFFFC000  }
0x1b: {  	[tilespmem:s18], [sflag:$0x2] =	stream.linear.gather [hbm4b:s31+s2], $0x80, $0x38;
	[tilespmem:$0x18A00] =	vst v63  }
0x1c: {  	_ =	swait.ge [sflag:s17], $0x80  }
0x1d: {  	[sflag:s17] =	ssyncset.done $0x0  }
0x1e: {  	[sflag:s17] =	ssyncadd.s32 $0xFFFFFF80  }
0x1f: {  	[spmem:s1] =	stream.indirect.scatter.add.f32 [tilespmem:s19], [sflag:$0x2], $0x80, s18, s18, $0xb8;
	[tilespmem:$0x18A00] =	vst v63  }
0x20: {  	_ =	swait.ge [sflag:s17], $0x4000  }
0x21: {  	[sflag:s17] =	ssyncset.done $0x0  }
0x22: {  	s26 =	smov.u32 s8;
	s28 =	smov.u32 s5;
	[sflag:s17] =	ssyncadd.s32 $0xFFFFC000  }
.LBB2_8:
0x23: {  	[tilespmem:s21], [sflag:$0x2] =	stream.linear.gather [hbm4b:s9+s2], $0x10, $0x38;
	[tilespmem:$0x18A00] =	vst v63  }
0x24: {  	_ =	swait.ge [sflag:s17], $0x10  }
0x25: {  	[sflag:s17] =	ssyncset.done $0x0  }
0x26: {  	[sflag:s17] =	ssyncadd.s32 $0xFFFFFFF0  }
0x27: {  	[tilespmem:s23], [sflag:$0x1] =	stream.indirect.gather [hbm4b:s28+s22], $0x80, s21, s22, $0xb8;
	[tilespmem:$0x18A00] =	vst v63  }
0x28: {  	_ =	swait.ge [sflag:s20], $0x800  }
0x29: {  	[sflag:s20] =	ssyncset.done $0x0  }
0x2a: {  	[sflag:s20] =	ssyncadd.s32 $0xFFFFF800  }
0x2b: {  	[tilespmem:s24], [sflag:$0x2] =	stream.linear.gather [hbm4b:s10+s2], $0x10, $0x38;
	[tilespmem:$0x18A00] =	vst v63  }
0x2c: {  	_ =	swait.ge [sflag:s17], $0x10  }
0x2d: {  	[sflag:s17] =	ssyncset.done $0x0  }
0x2e: {  	[sflag:s17] =	ssyncadd.s32 $0xFFFFFFF0  }
0x2f: {  	[spmem:s1] =	stream.indirect.scatter.add.f32 [tilespmem:s23], [sflag:$0x2], $0x80, s24, s22, $0xb8;
	[tilespmem:$0x18A00] =	vst v63  }
0x30: {  	_ =	swait.ge [sflag:s17], $0x800  }
0x31: {  	s25 =	sadd.s32 $0x1, s25;
	[sflag:s17] =	ssyncset.done $0x0  }
0x32: {  	p1 =	sne.s32 s25, s12;
	[sflag:s17] =	ssyncadd.s32 $0xFFFFF800  }
.Ltmp1:
0x33: {  	s26 =	sadd.s32 s26, s11;
	[bflag:$0x0] =	sbarrier.arrive $0xFFFF;
	(pc) =	sbr.rel @!p1 .LBB2_9-.Ltmp1, $4  }
0x34: {  	[hbm:s26], [sflag:s13] =	dma.local [spmem:s16], $0x2800  }
0x35: {  	_ =	swait.ge [sflag:s17], $0x2800  }
0x36: {  	[sflag:s17] =	ssyncset.done $0x0  }
0x37: {  	[sflag:s17] =	ssyncadd.s32 $0xFFFFD800  }
.LBB2_1:
0x38: {  	[spmem:s16], [sflag:s13] =	dma.local [hbm:s6], $0x2800  }
.Ltmp2:
0x39: {  	_ =	swait.ge [sflag:s17], $0x2800;
	(pc) =	sbr.rel @!p0 .LBB2_2-.Ltmp2, $4  }
0x3a: {  	[sflag:s17] =	ssyncset.done $0x0  }
0x3b: {  	[sflag:s17] =	ssyncadd.s32 $0xFFFFD800  }
0x3c: {  	[bflag:$0x0] =	sbarrier.arrive $0xFFFF  }
0x3d: {  	s26 =	sadd.s32 $0x0, s15  }
0x3e: {  	[tilespmem:s2], [sflag:$0x2] =	stream.linear.gather [hbm4b:s26+s2], $0x80, $0x38;
	[tilespmem:$0x18A00] =	vst v63  }
0x3f: {  	_ =	swait.ge [sflag:s17], $0x80  }
0x40: {  	[sflag:s17] =	ssyncset.done $0x0  }
0x41: {  	[sflag:s17] =	ssyncadd.s32 $0xFFFFFF80  }
0x42: {  	[tilespmem:s19], [sflag:$0x1] =	stream.indirect.gather [hbm4b:s5+s18], $0x80, s2, s18, $0xb8;
	[tilespmem:$0x18A00] =	vst v63  }
0x43: {  	_ =	swait.ge [sflag:s20], $0x4000  }
0x44: {  	[sflag:s20] =	ssyncset.done $0x0  }
0x45: {  	s31 =	sadd.s32 $0x0, s14;
	[sflag:s20] =	ssyncadd.s32 $0xFFFFC000  }
0x46: {  	[tilespmem:s18], [sflag:$0x2] =	stream.linear.gather [hbm4b:s31+s2], $0x80, $0x38;
	[tilespmem:$0x18A00] =	vst v63  }
0x47: {  	_ =	swait.ge [sflag:s17], $0x80  }
0x48: {  	[sflag:s17] =	ssyncset.done $0x0  }
0x49: {  	[sflag:s17] =	ssyncadd.s32 $0xFFFFFF80  }
0x4a: {  	[spmem:s1] =	stream.indirect.scatter.add.f32 [tilespmem:s19], [sflag:$0x2], $0x80, s18, s18, $0xb8;
	[tilespmem:$0x18A00] =	vst v63  }
0x4b: {  	_ =	swait.ge [sflag:s17], $0x4000  }
0x4c: {  	s26 =	simm.s32 $0x10;
	s28 =	simm.s32 $0x20;
	[sflag:s17] =	ssyncset.done $0x0  }
.LBB2_6:
0x4d: {  	s29 =	sadd.s32 s26, s15  }
0x4e: {  	[sflag:s17] =	ssyncadd.s32 $0xFFFFC000;
	s30 =	smov.u32 s28;
	s31 =	sadd.s32 $0x10, s28  }
0x4f: {  	[tilespmem:s2], [sflag:$0x2] =	stream.linear.gather [hbm4b:s29+s2], $0x80, $0x38;
	[tilespmem:$0x18A00] =	vst v63  }
0x50: {  	p1 =	sne.s32 s28, $0x4D0;
	_ =	swait.ge [sflag:s17], $0x80  }
0x51: {  	[sflag:s17] =	ssyncset.done $0x0  }
0x52: {  	[sflag:s17] =	ssyncadd.s32 $0xFFFFFF80  }
0x53: {  	[tilespmem:s19], [sflag:$0x1] =	stream.indirect.gather [hbm4b:s5+s18], $0x80, s2, s18, $0xb8;
	[tilespmem:$0x18A00] =	vst v63  }
0x54: {  	_ =	swait.ge [sflag:s20], $0x4000  }
0x55: {  	[sflag:s20] =	ssyncset.done $0x0  }
0x56: {  	s28 =	sadd.s32 s26, s14;
	s26 =	smov.u32 s30;
	[sflag:s20] =	ssyncadd.s32 $0xFFFFC000  }
0x57: {  	[tilespmem:s18], [sflag:$0x2] =	stream.linear.gather [hbm4b:s28+s2], $0x80, $0x38;
	[tilespmem:$0x18A00] =	vst v63  }
0x58: {  	_ =	swait.ge [sflag:s17], $0x80  }
.Ltmp3:
0x59: {  	[sflag:s17] =	ssyncset.done $0x0;
	(pc) =	sbr.rel @p1 .LBB2_6-.Ltmp3, $4  }
0x5a: {  	[sflag:s17] =	ssyncadd.s32 $0xFFFFFF80  }
0x5b: {  	[spmem:s1] =	stream.indirect.scatter.add.f32 [tilespmem:s19], [sflag:$0x2], $0x80, s18, s18, $0xb8;
	[tilespmem:$0x18A00] =	vst v63  }
0x5c: {  	_ =	swait.ge [sflag:s17], $0x4000  }
0x5d: {  	s28 =	smov.u32 s31;
	[sflag:s17] =	ssyncset.done $0x0  }
.Ltmp4:
0x5e: {  	_ = 	snop;
	(pc) =	sbr.rel .LBB2_7-.Ltmp4, $1  }
0x5f: {  	_ =	sdelay $0x3  }
.LBB2_2:
0x60: {  	[tilespmem:s2], [sflag:$0x2] =	stream.linear.gather [hbm4b:s26+s2], $0x80, $0x38;
	[tilespmem:$0x18A00] =	vst v63  }
0x61: {  	_ =	swait.ge [sflag:s17], $0x80  }
0x62: {  	[sflag:s17] =	ssyncset.done $0x0  }
0x63: {  	[sflag:s17] =	ssyncadd.s32 $0xFFFFFF80  }
0x64: {  	[tilespmem:s19], [sflag:$0x1] =	stream.indirect.gather [hbm4b:s4+s18], $0x80, s2, s18, $0xb8;
	[tilespmem:$0x18A00] =	vst v63  }
0x65: {  	_ =	swait.ge [sflag:s20], $0x4000  }
0x66: {  	[sflag:s20] =	ssyncset.done $0x0  }
0x67: {  	s31 =	sadd.s32 $0x0, s14;
	[sflag:s20] =	ssyncadd.s32 $0xFFFFC000  }
0x68: {  	[tilespmem:s18], [sflag:$0x2] =	stream.linear.gather [hbm4b:s31+s2], $0x80, $0x38;
	[tilespmem:$0x18A00] =	vst v63  }
0x69: {  	_ =	swait.ge [sflag:s17], $0x80  }
0x6a: {  	[sflag:s17] =	ssyncset.done $0x0  }
0x6b: {  	[sflag:s17] =	ssyncadd.s32 $0xFFFFFF80  }
0x6c: {  	[spmem:s1] =	stream.indirect.scatter.add.f32 [tilespmem:s19], [sflag:$0x2], $0x80, s18, s18, $0xb8;
	[tilespmem:$0x18A00] =	vst v63  }
0x6d: {  	_ =	swait.ge [sflag:s17], $0x4000  }
0x6e: {  	s26 =	simm.s32 $0x10;
	s28 =	simm.s32 $0x20;
	[sflag:s17] =	ssyncset.done $0x0  }
.LBB2_3:
0x6f: {  	s29 =	sadd.s32 s26, s15  }
0x70: {  	[sflag:s17] =	ssyncadd.s32 $0xFFFFC000;
	s30 =	smov.u32 s28;
	s31 =	sadd.s32 $0x10, s28  }
0x71: {  	[tilespmem:s2], [sflag:$0x2] =	stream.linear.gather [hbm4b:s29+s2], $0x80, $0x38;
	[tilespmem:$0x18A00] =	vst v63  }
0x72: {  	p1 =	seq.s32 s28, $0x4D0;
	_ =	swait.ge [sflag:s17], $0x80  }
0x73: {  	[sflag:s17] =	ssyncset.done $0x0  }
0x74: {  	[sflag:s17] =	ssyncadd.s32 $0xFFFFFF80  }
0x75: {  	[tilespmem:s19], [sflag:$0x1] =	stream.indirect.gather [hbm4b:s4+s18], $0x80, s2, s18, $0xb8;
	[tilespmem:$0x18A00] =	vst v63  }
0x76: {  	_ =	swait.ge [sflag:s20], $0x4000  }
0x77: {  	[sflag:s20] =	ssyncset.done $0x0  }
0x78: {  	s28 =	sadd.s32 s26, s14;
	s26 =	smov.u32 s30;
	[sflag:s20] =	ssyncadd.s32 $0xFFFFC000  }
0x79: {  	[tilespmem:s18], [sflag:$0x2] =	stream.linear.gather [hbm4b:s28+s2], $0x80, $0x38;
	[tilespmem:$0x18A00] =	vst v63  }
0x7a: {  	_ =	swait.ge [sflag:s17], $0x80  }
.Ltmp5:
0x7b: {  	[sflag:s17] =	ssyncset.done $0x0;
	(pc) =	sbr.rel @!p1 .LBB2_3-.Ltmp5, $4  }
0x7c: {  	[sflag:s17] =	ssyncadd.s32 $0xFFFFFF80  }
0x7d: {  	[spmem:s1] =	stream.indirect.scatter.add.f32 [tilespmem:s19], [sflag:$0x2], $0x80, s18, s18, $0xb8;
	[tilespmem:$0x18A00] =	vst v63  }
0x7e: {  	_ =	swait.ge [sflag:s17], $0x4000  }
0x7f: {  	s28 =	smov.u32 s31;
	[sflag:s17] =	ssyncset.done $0x0  }
0x80: {  	s28 =	sadd.s32 s26, s15;
	[sflag:s17] =	ssyncadd.s32 $0xFFFFC000  }
0x81: {  	[tilespmem:s2], [sflag:$0x2] =	stream.linear.gather [hbm4b:s28+s2], $0x80, $0x38;
	[tilespmem:$0x18A00] =	vst v63  }
0x82: {  	_ =	swait.ge [sflag:s17], $0x80  }
0x83: {  	[sflag:s17] =	ssyncset.done $0x0  }
0x84: {  	[sflag:s17] =	ssyncadd.s32 $0xFFFFFF80  }
0x85: {  	[tilespmem:s19], [sflag:$0x1] =	stream.indirect.gather [hbm4b:s4+s18], $0x80, s2, s18, $0xb8;
	[tilespmem:$0x18A00] =	vst v63  }
0x86: {  	_ =	swait.ge [sflag:s20], $0x4000  }
0x87: {  	[sflag:s20] =	ssyncset.done $0x0  }
0x88: {  	s31 =	sadd.s32 s26, s14;
	[sflag:s20] =	ssyncadd.s32 $0xFFFFC000  }
0x89: {  	[tilespmem:s18], [sflag:$0x2] =	stream.linear.gather [hbm4b:s31+s2], $0x80, $0x38;
	[tilespmem:$0x18A00] =	vst v63  }
0x8a: {  	_ =	swait.ge [sflag:s17], $0x80  }
0x8b: {  	[sflag:s17] =	ssyncset.done $0x0  }
.Ltmp6:
0x8c: {  	[sflag:s17] =	ssyncadd.s32 $0xFFFFFF80;
	(pc) =	sbr.rel .LBB2_8-.Ltmp6, $4  }
0x8d: {  	[spmem:s1] =	stream.indirect.scatter.add.f32 [tilespmem:s19], [sflag:$0x2], $0x80, s18, s18, $0xb8;
	[tilespmem:$0x18A00] =	vst v63  }
0x8e: {  	_ =	swait.ge [sflag:s17], $0x4000  }
0x8f: {  	[sflag:s17] =	ssyncset.done $0x0  }
0x90: {  	s26 =	smov.u32 s7;
	s28 =	smov.u32 s4;
	[sflag:s17] =	ssyncadd.s32 $0xFFFFC000  }
.LBB2_9:
0x91: {  	_ =	sfence.sel $0x180000  }
0x92: {  	[bflag:$0x0] =	sbarrier.arrive $0xFFFF  }
0x93: {  	p0 =	sne.s32 s3, $0x0;
	_ =	strace $0x90000047  }
0x94: {  	s0 =	sadd.s32 @!p0 $0x100000, s0;
	[bflag:$0x2] =	sbarrier.arrive $0xFFFF  }
0x95: {  	[sflag:s0] =	ssyncadd.tile.s32 @!p0 $0x1;
	_ =	shalt  }
.Lfunc_end2:
_tile_overlayer_lowered:
.L_overlay_start_2:
0x96: {  	(tag) =	ssettag $0x2  }
0x97: {  	s0 =	rddreg [dreg:$0x0];
	s2 =	stileid.u32  }
0x98: {  	s1 =	rddreg [dreg:$0x1];
	p0 =	sne.s32 s2, $0x0  }
0x99: {  	s3 =	rddreg [dreg:$0x2];
	[bflag:$0x3] =	sbarrier.arrive $0xFFFF;
	s2 =	simm.s32 @!p0 $0x1C02  }
0x9a: {  	[timem:s3], [sflag:s2] =	dma.local @!p0 [hbm:s0], s1  }
0x9b: {  	s0 =	simm.s32 @!p0 $0x2  }
0x9c: {  	_ =	swait.ge @!p0 [sflag:s0], s1  }
0x9d: {  	s1 =	ssub.s32 @!p0 $0x0, s1;
	[sflag:s0] =	ssyncset.done @!p0 $0x0  }
0x9e: {  	[sflag:s0] =	ssyncadd.s32 @!p0 s1  }
0x9f: {  	[bflag:$0x3] =	sbarrier.arrive $0xFFFF  }
0xa0: {  	_ =	shalt  }

</sc_bundles>
